<compile_context>
chip_gen: v7x
topology: tpu7x:2x2x1
jax: 0.10.2.dev20260603
libtpu: 0.0.44.dev20260713+nightly
codegen_flags: <defaults>
</compile_context>

<pallas_src>
import functools

import jax
import jax.numpy as jnp
from jax import lax
from jax.experimental import pallas as pl
from jax.experimental.pallas import tpu as pltpu
from jax.experimental.pallas import tpu_sc as plsc

_MAX_TIME_ELAPSED = 300000.0
_MAX_TIME_LAG = 86400.0

_NC = 2
_NS = 16
_NW = _NC * _NS
_LANES = 16
_CH = 256
_NBUF = 2

_GATHER_DNUMS = lax.GatherDimensionNumbers(
    offset_dims=(), collapsed_slice_dims=(0,), start_index_map=(0,))


def _lane_splat(v, idx):
    return lax.gather(v, idx[:, None], _GATHER_DNUMS, (1,),
                      mode=lax.GatherScatterMode.PROMISE_IN_BOUNDS)


def _sc_body(n_chunks, resp_hbm, el_hbm, la_hbm, wtab_hbm, out_hbm,
             wtab_v, rbuf, ebuf, lbuf, obuf, sem_in, sem_out):
    cid = lax.axis_index("c")
    sid = lax.axis_index("s")
    wid = sid * _NC + cid
    rows_per_w = n_chunks * _CH
    base_row = wid * rows_per_w

    pltpu.sync_copy(wtab_hbm, wtab_v)
    t0b = [wtab_v[0, pl.ds(k * _LANES, _LANES)] for k in range(8)]
    td = [wtab_v[1, pl.ds(k * _LANES, _LANES)] for k in range(8)]
    w0 = [wtab_v[2, pl.ds(k * _LANES, _LANES)] for k in range(8)]
    w1 = [wtab_v[3, pl.ds(k * _LANES, _LANES)] for k in range(8)]

    def in_copies(g, s):
        off = base_row + g * _CH
        sl = pl.ds(off, _CH)
        return (
            pltpu.make_async_copy(resp_hbm.at[sl], rbuf.at[s], sem_in.at[s]),
            pltpu.make_async_copy(el_hbm.at[sl], ebuf.at[s], sem_in.at[s]),
            pltpu.make_async_copy(la_hbm.at[sl], lbuf.at[s], sem_in.at[s]),
        )

    def out_copy(g, s):
        off = base_row + g * _CH
        return pltpu.make_async_copy(
            obuf.at[s], out_hbm.at[pl.ds(off, _CH)], sem_out.at[s])

    def start_in(g, s):
        for cp in in_copies(g, s):
            cp.start()

    def wait_in(g, s):
        for cp in in_copies(g, s):
            cp.wait()

    def compute(s):
        def rowgroup(t, _):
            sl = pl.ds(t * _LANES, _LANES)
            rv = rbuf[s, sl].astype(jnp.float32)
            ev = jnp.clip(ebuf[s, sl] * (1.0 / _MAX_TIME_ELAPSED), 0.0, 1.0)
            lv = jnp.clip(lbuf[s, sl] * (1.0 / _MAX_TIME_LAG), 0.0, 1.0)
            def row(j, _):
                idx = jnp.full((_LANES,), j, jnp.int32)
                rf = _lane_splat(rv, idx)
                e = _lane_splat(ev, idx)
                l = _lane_splat(lv, idx)
                i = t * _LANES + j
                for k in range(8):
                    o = t0b[k] + rf * td[k] + e * w0[k] + l * w1[k]
                    obuf[s, i, pl.ds(k * _LANES, _LANES)] = o
                return 0
            lax.fori_loop(0, _LANES, row, 0, unroll=1)
            return 0
        lax.fori_loop(0, _CH // _LANES, rowgroup, 0, unroll=2)

    for s in range(_NBUF):
        start_in(s, s)

    def outer(g2, _):
        for s in range(_NBUF):
            g = g2 * _NBUF + s
            wait_in(g, s)

            @pl.when(g >= _NBUF)
            def _():
                out_copy(g - _NBUF, s).wait()

            compute(s)
            out_copy(g, s).start()

            @pl.when(g + _NBUF < n_chunks)
            def _():
                start_in(g + _NBUF, s)
        return 0

    lax.fori_loop(0, n_chunks // _NBUF, outer, 0)

    for s in range(_NBUF):
        out_copy(n_chunks - _NBUF + s, s).wait()


def kernel(responses, elapsed_time, lag_time, response_table, time_W, time_b):
    B, L = responses.shape
    D = response_table.shape[1]
    N = B * L
    assert N % (_NW * _CH) == 0
    n_chunks = N // (_NW * _CH)

    wtab = jnp.stack([
        response_table[0] + time_b,
        response_table[1] - response_table[0],
        time_W[0],
        time_W[1],
    ])

    mesh = plsc.VectorSubcoreMesh(core_axis_name="c", subcore_axis_name="s")
    run = pl.kernel(
        functools.partial(_sc_body, n_chunks),
        out_type=jax.ShapeDtypeStruct((N, D), jnp.float32),
        mesh=mesh,
        scratch_types=[
            pltpu.VMEM((4, D), jnp.float32),
            pltpu.VMEM((_NBUF, _CH), jnp.int32),
            pltpu.VMEM((_NBUF, _CH), jnp.float32),
            pltpu.VMEM((_NBUF, _CH), jnp.float32),
            pltpu.VMEM((_NBUF, _CH, D), jnp.float32),
            pltpu.SemaphoreType.DMA((_NBUF,)),
            pltpu.SemaphoreType.DMA((_NBUF,)),
        ],
    )
    out = run(responses.reshape(N), elapsed_time.reshape(N),
              lag_time.reshape(N), wtab)
    return out.reshape(B, L, D)

# --- scband reference (transcript-rebuilt; emitter-appended) ---
"""Pipeline reference for scband-response-embedding-57672820851204 (READ-ONLY COPY).

The authoritative reference and input builder live on the scoring server;
editing this copy changes nothing except your own understanding.
"""

import jax, jax.numpy as jnp
import numpy as np

MAX_TIME_ELAPSED = 300000.0
MAX_TIME_LAG = 86400.0

def setup_inputs(seed: int = 0) -> dict:
    key = jax.random.key(seed)
    k1, k2, k3, k4, k5 = jax.random.split(key, 5)
    B, L, D = 16384, 200, 128
    responses = jax.random.randint(k1, (B, L), 0, 2)
    elapsed_time = jax.random.uniform(k2, (B, L), dtype=jnp.float32) * 2.0 * MAX_TIME_ELAPSED
    lag_time = jax.random.uniform(k3, (B, L), dtype=jnp.float32) * 2.0 * MAX_TIME_LAG
    response_table = jax.random.normal(k4, (2, D), dtype=jnp.float32)
    time_W = jax.random.normal(k5, (2, D), dtype=jnp.float32) * 0.1
    time_b = jnp.zeros((D,), dtype=jnp.float32)
    return {"responses": responses, "elapsed_time": elapsed_time, "lag_time": lag_time,
            "response_table": response_table, "time_W": time_W, "time_b": time_b}

def reference(responses, elapsed_time, lag_time, response_table, time_W, time_b):
    # response embedding lookup (gather)
    response_emb = jnp.take(response_table, responses, axis=0)
    # normalized, clamped time features
    elapsed_norm = jnp.clip(elapsed_time / MAX_TIME_ELAPSED, 0.0, 1.0)
    lag_norm = jnp.clip(lag_time / MAX_TIME_LAG, 0.0, 1.0)
    time_features = jnp.stack([elapsed_norm, lag_norm], axis=-1)  # [B, L, 2]
    time_emb = time_features @ time_W + time_b  # nn.Linear(2, D)
    return response_emb + time_emb

if __name__ == "__main__":
    import jax
    _d = setup_inputs()
    print(jax.jit(kernel)(*tuple(_d.values())))

</pallas_src>

<mosaic_0001>
#map = affine_map<(d0, d1) -> (0)>
#map1 = affine_map<(d0, d1) -> (0, 0)>
module attributes {stable_mosaic.version = 14 : i64} {
  func.func @_sc_body(%arg0: i32, %arg1: i32, %arg2: memref<3276800xi32, #tpu.memory_space<hbm>>, %arg3: memref<3276800xf32, #tpu.memory_space<hbm>>, %arg4: memref<3276800xf32, #tpu.memory_space<hbm>>, %arg5: memref<4x128xf32, #tpu.memory_space<hbm>>, %arg6: memref<3276800x128xf32, #tpu.memory_space<hbm>>, %arg7: memref<4x128xf32, #tpu.memory_space<vmem>>, %arg8: memref<2x256xi32, #tpu.memory_space<vmem>>, %arg9: memref<2x256xf32, #tpu.memory_space<vmem>>, %arg10: memref<2x256xf32, #tpu.memory_space<vmem>>, %arg11: memref<2x256x128xf32, #tpu.memory_space<vmem>>, %arg12: memref<2x!tpu.dma_semaphore, #tpu.memory_space<semaphore_mem>>, %arg13: memref<2x!tpu.dma_semaphore, #tpu.memory_space<semaphore_mem>>) attributes {dimension_semantics = [#tpu.dimension_semantics<core_parallel>, #tpu.dimension_semantics<subcore_parallel>], iteration_bounds = array<i64: 2, 16>, scalar_prefetch = 0 : i64, scratch_operands = 7 : i64, tpu.core_type = #tpu.core_type<sc_vector_subcore>, window_params = [{transform_indices = #map}, {transform_indices = #map}, {transform_indices = #map}, {transform_indices = #map1}, {transform_indices = #map1}]} {
    %mul3A = arith.constant 2 : i32
    %mul3A_0 = arith.muli %arg1, %mul3A : i32
    %add3A = arith.addi %mul3A_0, %arg0 : i32
    %mul3A_1 = arith.constant 102400 : i32
    %mul3A_2 = arith.muli %add3A, %mul3A_1 : i32
    "tpu.region"() ({
      %run_scoped3A = tpu.sem_alloc : memref<!tpu.dma_semaphore, #tpu.memory_space<semaphore_mem>>
      tpu.enqueue_dma source(%arg5 : memref<4x128xf32, #tpu.memory_space<hbm>>) target(%arg7 : memref<4x128xf32, #tpu.memory_space<vmem>>) target_semaphore(%run_scoped3A : memref<!tpu.dma_semaphore, #tpu.memory_space<semaphore_mem>>)
      tpu.wait_dma2 semaphore(%run_scoped3A : memref<!tpu.dma_semaphore, #tpu.memory_space<semaphore_mem>>) src(%arg5 : memref<4x128xf32, #tpu.memory_space<hbm>>) dst(%arg7 : memref<4x128xf32, #tpu.memory_space<vmem>>)
      tpu.yield
    }) : () -> ()
    %get3A = arith.constant 0 : i32
    %get3A_3 = arith.index_cast %get3A : i32 to index
    %get3A_4 = arith.constant 0 : index
    %get3A_5 = tpu.vector_load %arg7[%get3A_3, %get3A_4] {strides = array<i32>} : memref<4x128xf32, #tpu.memory_space<vmem>>, vector<1x16xf32>,
    %get3A_6 = vector.shape_cast %get3A_5 : vector<1x16xf32> to vector<16xf32>
    %get3A_7 = arith.constant 0 : i32
    %get3A_8 = arith.index_cast %get3A_7 : i32 to index
    %get3A_9 = arith.constant 16 : index
    %get3A_10 = tpu.vector_load %arg7[%get3A_8, %get3A_9] {strides = array<i32>} : memref<4x128xf32, #tpu.memory_space<vmem>>, vector<1x16xf32>,
    %get3A_11 = vector.shape_cast %get3A_10 : vector<1x16xf32> to vector<16xf32>
    %get3A_12 = arith.constant 0 : i32
    %get3A_13 = arith.index_cast %get3A_12 : i32 to index
    %get3A_14 = arith.constant 32 : index
    %get3A_15 = tpu.vector_load %arg7[%get3A_13, %get3A_14] {strides = array<i32>} : memref<4x128xf32, #tpu.memory_space<vmem>>, vector<1x16xf32>,
    %get3A_16 = vector.shape_cast %get3A_15 : vector<1x16xf32> to vector<16xf32>
    %get3A_17 = arith.constant 0 : i32
    %get3A_18 = arith.index_cast %get3A_17 : i32 to index
    %get3A_19 = arith.constant 48 : index
    %get3A_20 = tpu.vector_load %arg7[%get3A_18, %get3A_19] {strides = array<i32>} : memref<4x128xf32, #tpu.memory_space<vmem>>, vector<1x16xf32>,
    %get3A_21 = vector.shape_cast %get3A_20 : vector<1x16xf32> to vector<16xf32>
    %get3A_22 = arith.constant 0 : i32
    %get3A_23 = arith.index_cast %get3A_22 : i32 to index
    %get3A_24 = arith.constant 64 : index
    %get3A_25 = tpu.vector_load %arg7[%get3A_23, %get3A_24] {strides = array<i32>} : memref<4x128xf32, #tpu.memory_space<vmem>>, vector<1x16xf32>,
    %get3A_26 = vector.shape_cast %get3A_25 : vector<1x16xf32> to vector<16xf32>
    %get3A_27 = arith.constant 0 : i32
    %get3A_28 = arith.index_cast %get3A_27 : i32 to index
    %get3A_29 = arith.constant 80 : index
    %get3A_30 = tpu.vector_load %arg7[%get3A_28, %get3A_29] {strides = array<i32>} : memref<4x128xf32, #tpu.memory_space<vmem>>, vector<1x16xf32>,
    %get3A_31 = vector.shape_cast %get3A_30 : vector<1x16xf32> to vector<16xf32>
    %get3A_32 = arith.constant 0 : i32
    %get3A_33 = arith.index_cast %get3A_32 : i32 to index
    %get3A_34 = arith.constant 96 : index
    %get3A_35 = tpu.vector_load %arg7[%get3A_33, %get3A_34] {strides = array<i32>} : memref<4x128xf32, #tpu.memory_space<vmem>>, vector<1x16xf32>,
    %get3A_36 = vector.shape_cast %get3A_35 : vector<1x16xf32> to vector<16xf32>
    %get3A_37 = arith.constant 0 : i32
    %get3A_38 = arith.index_cast %get3A_37 : i32 to index
    %get3A_39 = arith.constant 112 : index
    %get3A_40 = tpu.vector_load %arg7[%get3A_38, %get3A_39] {strides = array<i32>} : memref<4x128xf32, #tpu.memory_space<vmem>>, vector<1x16xf32>,
    %get3A_41 = vector.shape_cast %get3A_40 : vector<1x16xf32> to vector<16xf32>
    %get3A_42 = arith.constant 1 : i32
    %get3A_43 = arith.index_cast %get3A_42 : i32 to index
    %get3A_44 = arith.constant 0 : index
    %get3A_45 = tpu.vector_load %arg7[%get3A_43, %get3A_44] {strides = array<i32>} : memref<4x128xf32, #tpu.memory_space<vmem>>, vector<1x16xf32>,
    %get3A_46 = vector.shape_cast %get3A_45 : vector<1x16xf32> to vector<16xf32>
    %get3A_47 = arith.constant 1 : i32
    %get3A_48 = arith.index_cast %get3A_47 : i32 to index
    %get3A_49 = arith.constant 16 : index
    %get3A_50 = tpu.vector_load %arg7[%get3A_48, %get3A_49] {strides = array<i32>} : memref<4x128xf32, #tpu.memory_space<vmem>>, vector<1x16xf32>,
    %get3A_51 = vector.shape_cast %get3A_50 : vector<1x16xf32> to vector<16xf32>
    %get3A_52 = arith.constant 1 : i32
    %get3A_53 = arith.index_cast %get3A_52 : i32 to index
    %get3A_54 = arith.constant 32 : index
    %get3A_55 = tpu.vector_load %arg7[%get3A_53, %get3A_54] {strides = array<i32>} : memref<4x128xf32, #tpu.memory_space<vmem>>, vector<1x16xf32>,
    %get3A_56 = vector.shape_cast %get3A_55 : vector<1x16xf32> to vector<16xf32>
    %get3A_57 = arith.constant 1 : i32
    %get3A_58 = arith.index_cast %get3A_57 : i32 to index
    %get3A_59 = arith.constant 48 : index
    %get3A_60 = tpu.vector_load %arg7[%get3A_58, %get3A_59] {strides = array<i32>} : memref<4x128xf32, #tpu.memory_space<vmem>>, vector<1x16xf32>,
    %get3A_61 = vector.shape_cast %get3A_60 : vector<1x16xf32> to vector<16xf32>
    %get3A_62 = arith.constant 1 : i32
    %get3A_63 = arith.index_cast %get3A_62 : i32 to index
    %get3A_64 = arith.constant 64 : index
    %get3A_65 = tpu.vector_load %arg7[%get3A_63, %get3A_64] {strides = array<i32>} : memref<4x128xf32, #tpu.memory_space<vmem>>, vector<1x16xf32>,
    %get3A_66 = vector.shape_cast %get3A_65 : vector<1x16xf32> to vector<16xf32>
    %get3A_67 = arith.constant 1 : i32
    %get3A_68 = arith.index_cast %get3A_67 : i32 to index
    %get3A_69 = arith.constant 80 : index
    %get3A_70 = tpu.vector_load %arg7[%get3A_68, %get3A_69] {strides = array<i32>} : memref<4x128xf32, #tpu.memory_space<vmem>>, vector<1x16xf32>,
    %get3A_71 = vector.shape_cast %get3A_70 : vector<1x16xf32> to vector<16xf32>
    %get3A_72 = arith.constant 1 : i32
    %get3A_73 = arith.index_cast %get3A_72 : i32 to index
    %get3A_74 = arith.constant 96 : index
    %get3A_75 = tpu.vector_load %arg7[%get3A_73, %get3A_74] {strides = array<i32>} : memref<4x128xf32, #tpu.memory_space<vmem>>, vector<1x16xf32>,
    %get3A_76 = vector.shape_cast %get3A_75 : vector<1x16xf32> to vector<16xf32>
    %get3A_77 = arith.constant 1 : i32
    %get3A_78 = arith.index_cast %get3A_77 : i32 to index
    %get3A_79 = arith.constant 112 : index
    %get3A_80 = tpu.vector_load %arg7[%get3A_78, %get3A_79] {strides = array<i32>} : memref<4x128xf32, #tpu.memory_space<vmem>>, vector<1x16xf32>,
    %get3A_81 = vector.shape_cast %get3A_80 : vector<1x16xf32> to vector<16xf32>
    %get3A_82 = arith.constant 2 : i32
    %get3A_83 = arith.index_cast %get3A_82 : i32 to index
    %get3A_84 = arith.constant 0 : index
    %get3A_85 = tpu.vector_load %arg7[%get3A_83, %get3A_84] {strides = array<i32>} : memref<4x128xf32, #tpu.memory_space<vmem>>, vector<1x16xf32>,
    %get3A_86 = vector.shape_cast %get3A_85 : vector<1x16xf32> to vector<16xf32>
    %get3A_87 = arith.constant 2 : i32
    %get3A_88 = arith.index_cast %get3A_87 : i32 to index
    %get3A_89 = arith.constant 16 : index
    %get3A_90 = tpu.vector_load %arg7[%get3A_88, %get3A_89] {strides = array<i32>} : memref<4x128xf32, #tpu.memory_space<vmem>>, vector<1x16xf32>,
    %get3A_91 = vector.shape_cast %get3A_90 : vector<1x16xf32> to vector<16xf32>
    %get3A_92 = arith.constant 2 : i32
    %get3A_93 = arith.index_cast %get3A_92 : i32 to index
    %get3A_94 = arith.constant 32 : index
    %get3A_95 = tpu.vector_load %arg7[%get3A_93, %get3A_94] {strides = array<i32>} : memref<4x128xf32, #tpu.memory_space<vmem>>, vector<1x16xf32>,
    %get3A_96 = vector.shape_cast %get3A_95 : vector<1x16xf32> to vector<16xf32>
    %get3A_97 = arith.constant 2 : i32
    %get3A_98 = arith.index_cast %get3A_97 : i32 to index
    %get3A_99 = arith.constant 48 : index
    %get3A_100 = tpu.vector_load %arg7[%get3A_98, %get3A_99] {strides = array<i32>} : memref<4x128xf32, #tpu.memory_space<vmem>>, vector<1x16xf32>,
    %get3A_101 = vector.shape_cast %get3A_100 : vector<1x16xf32> to vector<16xf32>
    %get3A_102 = arith.constant 2 : i32
    %get3A_103 = arith.index_cast %get3A_102 : i32 to index
    %get3A_104 = arith.constant 64 : index
    %get3A_105 = tpu.vector_load %arg7[%get3A_103, %get3A_104] {strides = array<i32>} : memref<4x128xf32, #tpu.memory_space<vmem>>, vector<1x16xf32>,
    %get3A_106 = vector.shape_cast %get3A_105 : vector<1x16xf32> to vector<16xf32>
    %get3A_107 = arith.constant 2 : i32
    %get3A_108 = arith.index_cast %get3A_107 : i32 to index
    %get3A_109 = arith.constant 80 : index
    %get3A_110 = tpu.vector_load %arg7[%get3A_108, %get3A_109] {strides = array<i32>} : memref<4x128xf32, #tpu.memory_space<vmem>>, vector<1x16xf32>,
    %get3A_111 = vector.shape_cast %get3A_110 : vector<1x16xf32> to vector<16xf32>
    %get3A_112 = arith.constant 2 : i32
    %get3A_113 = arith.index_cast %get3A_112 : i32 to index
    %get3A_114 = arith.constant 96 : index
    %get3A_115 = tpu.vector_load %arg7[%get3A_113, %get3A_114] {strides = array<i32>} : memref<4x128xf32, #tpu.memory_space<vmem>>, vector<1x16xf32>,
    %get3A_116 = vector.shape_cast %get3A_115 : vector<1x16xf32> to vector<16xf32>
    %get3A_117 = arith.constant 2 : i32
    %get3A_118 = arith.index_cast %get3A_117 : i32 to index
    %get3A_119 = arith.constant 112 : index
    %get3A_120 = tpu.vector_load %arg7[%get3A_118, %get3A_119] {strides = array<i32>} : memref<4x128xf32, #tpu.memory_space<vmem>>, vector<1x16xf32>,
    %get3A_121 = vector.shape_cast %get3A_120 : vector<1x16xf32> to vector<16xf32>
    %get3A_122 = arith.constant 3 : i32
    %get3A_123 = arith.index_cast %get3A_122 : i32 to index
    %get3A_124 = arith.constant 0 : index
    %get3A_125 = tpu.vector_load %arg7[%get3A_123, %get3A_124] {strides = array<i32>} : memref<4x128xf32, #tpu.memory_space<vmem>>, vector<1x16xf32>,
    %get3A_126 = vector.shape_cast %get3A_125 : vector<1x16xf32> to vector<16xf32>
    %get3A_127 = arith.constant 3 : i32
    %get3A_128 = arith.index_cast %get3A_127 : i32 to index
    %get3A_129 = arith.constant 16 : index
    %get3A_130 = tpu.vector_load %arg7[%get3A_128, %get3A_129] {strides = array<i32>} : memref<4x128xf32, #tpu.memory_space<vmem>>, vector<1x16xf32>,
    %get3A_131 = vector.shape_cast %get3A_130 : vector<1x16xf32> to vector<16xf32>
    %get3A_132 = arith.constant 3 : i32
    %get3A_133 = arith.index_cast %get3A_132 : i32 to index
    %get3A_134 = arith.constant 32 : index
    %get3A_135 = tpu.vector_load %arg7[%get3A_133, %get3A_134] {strides = array<i32>} : memref<4x128xf32, #tpu.memory_space<vmem>>, vector<1x16xf32>,
    %get3A_136 = vector.shape_cast %get3A_135 : vector<1x16xf32> to vector<16xf32>
    %get3A_137 = arith.constant 3 : i32
    %get3A_138 = arith.index_cast %get3A_137 : i32 to index
    %get3A_139 = arith.constant 48 : index
    %get3A_140 = tpu.vector_load %arg7[%get3A_138, %get3A_139] {strides = array<i32>} : memref<4x128xf32, #tpu.memory_space<vmem>>, vector<1x16xf32>,
    %get3A_141 = vector.shape_cast %get3A_140 : vector<1x16xf32> to vector<16xf32>
    %get3A_142 = arith.constant 3 : i32
    %get3A_143 = arith.index_cast %get3A_142 : i32 to index
    %get3A_144 = arith.constant 64 : index
    %get3A_145 = tpu.vector_load %arg7[%get3A_143, %get3A_144] {strides = array<i32>} : memref<4x128xf32, #tpu.memory_space<vmem>>, vector<1x16xf32>,
    %get3A_146 = vector.shape_cast %get3A_145 : vector<1x16xf32> to vector<16xf32>
    %get3A_147 = arith.constant 3 : i32
    %get3A_148 = arith.index_cast %get3A_147 : i32 to index
    %get3A_149 = arith.constant 80 : index
    %get3A_150 = tpu.vector_load %arg7[%get3A_148, %get3A_149] {strides = array<i32>} : memref<4x128xf32, #tpu.memory_space<vmem>>, vector<1x16xf32>,
    %get3A_151 = vector.shape_cast %get3A_150 : vector<1x16xf32> to vector<16xf32>
    %get3A_152 = arith.constant 3 : i32
    %get3A_153 = arith.index_cast %get3A_152 : i32 to index
    %get3A_154 = arith.constant 96 : index
    %get3A_155 = tpu.vector_load %arg7[%get3A_153, %get3A_154] {strides = array<i32>} : memref<4x128xf32, #tpu.memory_space<vmem>>, vector<1x16xf32>,
    %get3A_156 = vector.shape_cast %get3A_155 : vector<1x16xf32> to vector<16xf32>
    %get3A_157 = arith.constant 3 : i32
    %get3A_158 = arith.index_cast %get3A_157 : i32 to index
    %get3A_159 = arith.constant 112 : index
    %get3A_160 = tpu.vector_load %arg7[%get3A_158, %get3A_159] {strides = array<i32>} : memref<4x128xf32, #tpu.memory_space<vmem>>, vector<1x16xf32>,
    %get3A_161 = vector.shape_cast %get3A_160 : vector<1x16xf32> to vector<16xf32>
    %add3A_162 = arith.constant 0 : i32
    %add3A_163 = arith.addi %mul3A_2, %add3A_162 : i32
    %dma_start3A = arith.constant 0 : i32
    %dma_start3A_164 = arith.constant 0 : i32
    %dma_start3A_165 = arith.constant 0 : i32
    %dma_start3A_166 = tpu.memref_slice %arg8[%dma_start3A, %dma_start3A_165] : memref<2x256xi32, #tpu.memory_space<vmem>> -> memref<1x256xi32, #tpu.memory_space<vmem>>
    %dma_start3A_167 = tpu.memref_squeeze %dma_start3A_166 : memref<1x256xi32, #tpu.memory_space<vmem>> -> memref<256xi32, #tpu.memory_space<vmem>>
    %dma_start3A_168 = tpu.memref_slice %arg2[%add3A_163] : memref<3276800xi32, #tpu.memory_space<hbm>> -> memref<256xi32, #tpu.memory_space<hbm>>
    %dma_start3A_169 = tpu.memref_slice %arg12[%dma_start3A_164] : memref<2x!tpu.dma_semaphore, #tpu.memory_space<semaphore_mem>> -> memref<1x!tpu.dma_semaphore, #tpu.memory_space<semaphore_mem>>
    %dma_start3A_170 = tpu.memref_squeeze %dma_start3A_169 : memref<1x!tpu.dma_semaphore, #tpu.memory_space<semaphore_mem>> -> memref<!tpu.dma_semaphore, #tpu.memory_space<semaphore_mem>>
    %dma_start3A_171 = arith.constant 0 : i32
    %dma_start3A_172 = tpu.memref_slice %arg8[%dma_start3A, %dma_start3A_171] : memref<2x256xi32, #tpu.memory_space<vmem>> -> memref<1x256xi32, #tpu.memory_space<vmem>>
    %dma_start3A_173 = tpu.memref_squeeze %dma_start3A_172 : memref<1x256xi32, #tpu.memory_space<vmem>> -> memref<256xi32, #tpu.memory_space<vmem>>
    %dma_start3A_174 = tpu.memref_slice %arg2[%add3A_163] : memref<3276800xi32, #tpu.memory_space<hbm>> -> memref<256xi32, #tpu.memory_space<hbm>>
    tpu.enqueue_dma source(%dma_start3A_174 : memref<256xi32, #tpu.memory_space<hbm>>) target(%dma_start3A_173 : memref<256xi32, #tpu.memory_space<vmem>>) target_semaphore(%dma_start3A_170 : memref<!tpu.dma_semaphore, #tpu.memory_space<semaphore_mem>>)
    %dma_start3A_175 = arith.constant 0 : i32
    %dma_start3A_176 = arith.constant 0 : i32
    %dma_start3A_177 = arith.constant 0 : i32
    %dma_start3A_178 = tpu.memref_slice %arg9[%dma_start3A_175, %dma_start3A_177] : memref<2x256xf32, #tpu.memory_space<vmem>> -> memref<1x256xf32, #tpu.memory_space<vmem>>
    %dma_start3A_179 = tpu.memref_squeeze %dma_start3A_178 : memref<1x256xf32, #tpu.memory_space<vmem>> -> memref<256xf32, #tpu.memory_space<vmem>>
    %dma_start3A_180 = tpu.memref_slice %arg3[%add3A_163] : memref<3276800xf32, #tpu.memory_space<hbm>> -> memref<256xf32, #tpu.memory_space<hbm>>
    %dma_start3A_181 = tpu.memref_slice %arg12[%dma_start3A_176] : memref<2x!tpu.dma_semaphore, #tpu.memory_space<semaphore_mem>> -> memref<1x!tpu.dma_semaphore, #tpu.memory_space<semaphore_mem>>
    %dma_start3A_182 = tpu.memref_squeeze %dma_start3A_181 : memref<1x!tpu.dma_semaphore, #tpu.memory_space<semaphore_mem>> -> memref<!tpu.dma_semaphore, #tpu.memory_space<semaphore_mem>>
    %dma_start3A_183 = arith.constant 0 : i32
    %dma_start3A_184 = tpu.memref_slice %arg9[%dma_start3A_175, %dma_start3A_183] : memref<2x256xf32, #tpu.memory_space<vmem>> -> memref<1x256xf32, #tpu.memory_space<vmem>>
    %dma_start3A_185 = tpu.memref_squeeze %dma_start3A_184 : memref<1x256xf32, #tpu.memory_space<vmem>> -> memref<256xf32, #tpu.memory_space<vmem>>
    %dma_start3A_186 = tpu.memref_slice %arg3[%add3A_163] : memref<3276800xf32, #tpu.memory_space<hbm>> -> memref<256xf32, #tpu.memory_space<hbm>>
    tpu.enqueue_dma source(%dma_start3A_186 : memref<256xf32, #tpu.memory_space<hbm>>) target(%dma_start3A_185 : memref<256xf32, #tpu.memory_space<vmem>>) target_semaphore(%dma_start3A_182 : memref<!tpu.dma_semaphore, #tpu.memory_space<semaphore_mem>>)
    %dma_start3A_187 = arith.constant 0 : i32
    %dma_start3A_188 = arith.constant 0 : i32
    %dma_start3A_189 = arith.constant 0 : i32
    %dma_start3A_190 = tpu.memref_slice %arg10[%dma_start3A_187, %dma_start3A_189] : memref<2x256xf32, #tpu.memory_space<vmem>> -> memref<1x256xf32, #tpu.memory_space<vmem>>
    %dma_start3A_191 = tpu.memref_squeeze %dma_start3A_190 : memref<1x256xf32, #tpu.memory_space<vmem>> -> memref<256xf32, #tpu.memory_space<vmem>>
    %dma_start3A_192 = tpu.memref_slice %arg4[%add3A_163] : memref<3276800xf32, #tpu.memory_space<hbm>> -> memref<256xf32, #tpu.memory_space<hbm>>
    %dma_start3A_193 = tpu.memref_slice %arg12[%dma_start3A_188] : memref<2x!tpu.dma_semaphore, #tpu.memory_space<semaphore_mem>> -> memref<1x!tpu.dma_semaphore, #tpu.memory_space<semaphore_mem>>
    %dma_start3A_194 = tpu.memref_squeeze %dma_start3A_193 : memref<1x!tpu.dma_semaphore, #tpu.memory_space<semaphore_mem>> -> memref<!tpu.dma_semaphore, #tpu.memory_space<semaphore_mem>>
    %dma_start3A_195 = arith.constant 0 : i32
    %dma_start3A_196 = tpu.memref_slice %arg10[%dma_start3A_187, %dma_start3A_195] : memref<2x256xf32, #tpu.memory_space<vmem>> -> memref<1x256xf32, #tpu.memory_space<vmem>>
    %dma_start3A_197 = tpu.memref_squeeze %dma_start3A_196 : memref<1x256xf32, #tpu.memory_space<vmem>> -> memref<256xf32, #tpu.memory_space<vmem>>
    %dma_start3A_198 = tpu.memref_slice %arg4[%add3A_163] : memref<3276800xf32, #tpu.memory_space<hbm>> -> memref<256xf32, #tpu.memory_space<hbm>>
    tpu.enqueue_dma source(%dma_start3A_198 : memref<256xf32, #tpu.memory_space<hbm>>) target(%dma_start3A_197 : memref<256xf32, #tpu.memory_space<vmem>>) target_semaphore(%dma_start3A_194 : memref<!tpu.dma_semaphore, #tpu.memory_space<semaphore_mem>>)
    %add3A_199 = arith.constant 256 : i32
    %add3A_200 = arith.addi %mul3A_2, %add3A_199 : i32
    %dma_start3A_201 = arith.constant 1 : i32
    %dma_start3A_202 = arith.constant 1 : i32
    %dma_start3A_203 = arith.constant 0 : i32
    %dma_start3A_204 = tpu.memref_slice %arg8[%dma_start3A_201, %dma_start3A_203] : memref<2x256xi32, #tpu.memory_space<vmem>> -> memref<1x256xi32, #tpu.memory_space<vmem>>
    %dma_start3A_205 = tpu.memref_squeeze %dma_start3A_204 : memref<1x256xi32, #tpu.memory_space<vmem>> -> memref<256xi32, #tpu.memory_space<vmem>>
    %dma_start3A_206 = tpu.memref_slice %arg2[%add3A_200] : memref<3276800xi32, #tpu.memory_space<hbm>> -> memref<256xi32, #tpu.memory_space<hbm>>
    %dma_start3A_207 = tpu.memref_slice %arg12[%dma_start3A_202] : memref<2x!tpu.dma_semaphore, #tpu.memory_space<semaphore_mem>> -> memref<1x!tpu.dma_semaphore, #tpu.memory_space<semaphore_mem>>
    %dma_start3A_208 = tpu.memref_squeeze %dma_start3A_207 : memref<1x!tpu.dma_semaphore, #tpu.memory_space<semaphore_mem>> -> memref<!tpu.dma_semaphore, #tpu.memory_space<semaphore_mem>>
    %dma_start3A_209 = arith.constant 0 : i32
    %dma_start3A_210 = tpu.memref_slice %arg8[%dma_start3A_201, %dma_start3A_209] : memref<2x256xi32, #tpu.memory_space<vmem>> -> memref<1x256xi32, #tpu.memory_space<vmem>>
    %dma_start3A_211 = tpu.memref_squeeze %dma_start3A_210 : memref<1x256xi32, #tpu.memory_space<vmem>> -> memref<256xi32, #tpu.memory_space<vmem>>
    %dma_start3A_212 = tpu.memref_slice %arg2[%add3A_200] : memref<3276800xi32, #tpu.memory_space<hbm>> -> memref<256xi32, #tpu.memory_space<hbm>>
    tpu.enqueue_dma source(%dma_start3A_212 : memref<256xi32, #tpu.memory_space<hbm>>) target(%dma_start3A_211 : memref<256xi32, #tpu.memory_space<vmem>>) target_semaphore(%dma_start3A_208 : memref<!tpu.dma_semaphore, #tpu.memory_space<semaphore_mem>>)
    %dma_start3A_213 = arith.constant 1 : i32
    %dma_start3A_214 = arith.constant 1 : i32
    %dma_start3A_215 = arith.constant 0 : i32
    %dma_start3A_216 = tpu.memref_slice %arg9[%dma_start3A_213, %dma_start3A_215] : memref<2x256xf32, #tpu.memory_space<vmem>> -> memref<1x256xf32, #tpu.memory_space<vmem>>
    %dma_start3A_217 = tpu.memref_squeeze %dma_start3A_216 : memref<1x256xf32, #tpu.memory_space<vmem>> -> memref<256xf32, #tpu.memory_space<vmem>>
    %dma_start3A_218 = tpu.memref_slice %arg3[%add3A_200] : memref<3276800xf32, #tpu.memory_space<hbm>> -> memref<256xf32, #tpu.memory_space<hbm>>
    %dma_start3A_219 = tpu.memref_slice %arg12[%dma_start3A_214] : memref<2x!tpu.dma_semaphore, #tpu.memory_space<semaphore_mem>> -> memref<1x!tpu.dma_semaphore, #tpu.memory_space<semaphore_mem>>
    %dma_start3A_220 = tpu.memref_squeeze %dma_start3A_219 : memref<1x!tpu.dma_semaphore, #tpu.memory_space<semaphore_mem>> -> memref<!tpu.dma_semaphore, #tpu.memory_space<semaphore_mem>>
    %dma_start3A_221 = arith.constant 0 : i32
    %dma_start3A_222 = tpu.memref_slice %arg9[%dma_start3A_213, %dma_start3A_221] : memref<2x256xf32, #tpu.memory_space<vmem>> -> memref<1x256xf32, #tpu.memory_space<vmem>>
    %dma_start3A_223 = tpu.memref_squeeze %dma_start3A_222 : memref<1x256xf32, #tpu.memory_space<vmem>> -> memref<256xf32, #tpu.memory_space<vmem>>
    %dma_start3A_224 = tpu.memref_slice %arg3[%add3A_200] : memref<3276800xf32, #tpu.memory_space<hbm>> -> memref<256xf32, #tpu.memory_space<hbm>>
    tpu.enqueue_dma source(%dma_start3A_224 : memref<256xf32, #tpu.memory_space<hbm>>) target(%dma_start3A_223 : memref<256xf32, #tpu.memory_space<vmem>>) target_semaphore(%dma_start3A_220 : memref<!tpu.dma_semaphore, #tpu.memory_space<semaphore_mem>>)
    %dma_start3A_225 = arith.constant 1 : i32
    %dma_start3A_226 = arith.constant 1 : i32
    %dma_start3A_227 = arith.constant 0 : i32
    %dma_start3A_228 = tpu.memref_slice %arg10[%dma_start3A_225, %dma_start3A_227] : memref<2x256xf32, #tpu.memory_space<vmem>> -> memref<1x256xf32, #tpu.memory_space<vmem>>
    %dma_start3A_229 = tpu.memref_squeeze %dma_start3A_228 : memref<1x256xf32, #tpu.memory_space<vmem>> -> memref<256xf32, #tpu.memory_space<vmem>>
    %dma_start3A_230 = tpu.memref_slice %arg4[%add3A_200] : memref<3276800xf32, #tpu.memory_space<hbm>> -> memref<256xf32, #tpu.memory_space<hbm>>
    %dma_start3A_231 = tpu.memref_slice %arg12[%dma_start3A_226] : memref<2x!tpu.dma_semaphore, #tpu.memory_space<semaphore_mem>> -> memref<1x!tpu.dma_semaphore, #tpu.memory_space<semaphore_mem>>
    %dma_start3A_232 = tpu.memref_squeeze %dma_start3A_231 : memref<1x!tpu.dma_semaphore, #tpu.memory_space<semaphore_mem>> -> memref<!tpu.dma_semaphore, #tpu.memory_space<semaphore_mem>>
    %dma_start3A_233 = arith.constant 0 : i32
    %dma_start3A_234 = tpu.memref_slice %arg10[%dma_start3A_225, %dma_start3A_233] : memref<2x256xf32, #tpu.memory_space<vmem>> -> memref<1x256xf32, #tpu.memory_space<vmem>>
    %dma_start3A_235 = tpu.memref_squeeze %dma_start3A_234 : memref<1x256xf32, #tpu.memory_space<vmem>> -> memref<256xf32, #tpu.memory_space<vmem>>
    %dma_start3A_236 = tpu.memref_slice %arg4[%add3A_200] : memref<3276800xf32, #tpu.memory_space<hbm>> -> memref<256xf32, #tpu.memory_space<hbm>>
    tpu.enqueue_dma source(%dma_start3A_236 : memref<256xf32, #tpu.memory_space<hbm>>) target(%dma_start3A_235 : memref<256xf32, #tpu.memory_space<vmem>>) target_semaphore(%dma_start3A_232 : memref<!tpu.dma_semaphore, #tpu.memory_space<semaphore_mem>>)
    %scan3A = arith.constant 0 : i32
    %scan3A_237 = arith.constant 0 : i32
    %scan3A_238 = arith.constant 200 : i32
    %scan3A_239 = arith.addi %scan3A_237, %scan3A_238 : i32
    %scan3A_240 = arith.constant 1 : i32
    %scan3A_241 = scf.for %scan3A_278 = %scan3A_237 to %scan3A_239 step %scan3A_240 iter_args(%scan3A_279 = %scan3A) -> (i32)  : i32 {
      %mul3A_280 = arith.constant 2 : i32
      %mul3A_281 = arith.muli %scan3A_278, %mul3A_280 : i32
      %add3A_282 = arith.constant 0 : i32
      %add3A_283 = arith.addi %mul3A_281, %add3A_282 : i32
      %mul3A_284 = arith.constant 256 : i32
      %mul3A_285 = arith.muli %add3A_283, %mul3A_284 : i32
      %add3A_286 = arith.addi %mul3A_2, %mul3A_285 : i32
      %dma_wait3A_287 = arith.constant 0 : i32
      %dma_wait3A_288 = arith.constant 0 : i32
      %dma_wait3A_289 = arith.constant 0 : i32
      %dma_wait3A_290 = tpu.memref_slice %arg8[%dma_wait3A_287, %dma_wait3A_289] : memref<2x256xi32, #tpu.memory_space<vmem>> -> memref<1x256xi32, #tpu.memory_space<vmem>>
      %dma_wait3A_291 = tpu.memref_squeeze %dma_wait3A_290 : memref<1x256xi32, #tpu.memory_space<vmem>> -> memref<256xi32, #tpu.memory_space<vmem>>
      %dma_wait3A_292 = tpu.memref_slice %arg2[%add3A_286] : memref<3276800xi32, #tpu.memory_space<hbm>> -> memref<256xi32, #tpu.memory_space<hbm>>
      %dma_wait3A_293 = tpu.memref_slice %arg12[%dma_wait3A_288] : memref<2x!tpu.dma_semaphore, #tpu.memory_space<semaphore_mem>> -> memref<1x!tpu.dma_semaphore, #tpu.memory_space<semaphore_mem>>
      %dma_wait3A_294 = tpu.memref_squeeze %dma_wait3A_293 : memref<1x!tpu.dma_semaphore, #tpu.memory_space<semaphore_mem>> -> memref<!tpu.dma_semaphore, #tpu.memory_space<semaphore_mem>>
      %dma_wait3A_295 = arith.constant 0 : i32
      %dma_wait3A_296 = tpu.memref_slice %arg8[%dma_wait3A_287, %dma_wait3A_295] : memref<2x256xi32, #tpu.memory_space<vmem>> -> memref<1x256xi32, #tpu.memory_space<vmem>>
      %dma_wait3A_297 = tpu.memref_squeeze %dma_wait3A_296 : memref<1x256xi32, #tpu.memory_space<vmem>> -> memref<256xi32, #tpu.memory_space<vmem>>
      %dma_wait3A_298 = tpu.memref_slice %arg2[%add3A_286] : memref<3276800xi32, #tpu.memory_space<hbm>> -> memref<256xi32, #tpu.memory_space<hbm>>
      tpu.wait_dma2 semaphore(%dma_wait3A_294 : memref<!tpu.dma_semaphore, #tpu.memory_space<semaphore_mem>>) src(%dma_wait3A_298 : memref<256xi32, #tpu.memory_space<hbm>>) dst(%dma_wait3A_297 : memref<256xi32, #tpu.memory_space<vmem>>)
      %dma_wait3A_299 = arith.constant 0 : i32
      %dma_wait3A_300 = arith.constant 0 : i32
      %dma_wait3A_301 = arith.constant 0 : i32
      %dma_wait3A_302 = tpu.memref_slice %arg9[%dma_wait3A_299, %dma_wait3A_301] : memref<2x256xf32, #tpu.memory_space<vmem>> -> memref<1x256xf32, #tpu.memory_space<vmem>>
      %dma_wait3A_303 = tpu.memref_squeeze %dma_wait3A_302 : memref<1x256xf32, #tpu.memory_space<vmem>> -> memref<256xf32, #tpu.memory_space<vmem>>
      %dma_wait3A_304 = tpu.memref_slice %arg3[%add3A_286] : memref<3276800xf32, #tpu.memory_space<hbm>> -> memref<256xf32, #tpu.memory_space<hbm>>
      %dma_wait3A_305 = tpu.memref_slice %arg12[%dma_wait3A_300] : memref<2x!tpu.dma_semaphore, #tpu.memory_space<semaphore_mem>> -> memref<1x!tpu.dma_semaphore, #tpu.memory_space<semaphore_mem>>
      %dma_wait3A_306 = tpu.memref_squeeze %dma_wait3A_305 : memref<1x!tpu.dma_semaphore, #tpu.memory_space<semaphore_mem>> -> memref<!tpu.dma_semaphore, #tpu.memory_space<semaphore_mem>>
      %dma_wait3A_307 = arith.constant 0 : i32
      %dma_wait3A_308 = tpu.memref_slice %arg9[%dma_wait3A_299, %dma_wait3A_307] : memref<2x256xf32, #tpu.memory_space<vmem>> -> memref<1x256xf32, #tpu.memory_space<vmem>>
      %dma_wait3A_309 = tpu.memref_squeeze %dma_wait3A_308 : memref<1x256xf32, #tpu.memory_space<vmem>> -> memref<256xf32, #tpu.memory_space<vmem>>
      %dma_wait3A_310 = tpu.memref_slice %arg3[%add3A_286] : memref<3276800xf32, #tpu.memory_space<hbm>> -> memref<256xf32, #tpu.memory_space<hbm>>
      tpu.wait_dma2 semaphore(%dma_wait3A_306 : memref<!tpu.dma_semaphore, #tpu.memory_space<semaphore_mem>>) src(%dma_wait3A_310 : memref<256xf32, #tpu.memory_space<hbm>>) dst(%dma_wait3A_309 : memref<256xf32, #tpu.memory_space<vmem>>)
      %dma_wait3A_311 = arith.constant 0 : i32
      %dma_wait3A_312 = arith.constant 0 : i32
      %dma_wait3A_313 = arith.constant 0 : i32
      %dma_wait3A_314 = tpu.memref_slice %arg10[%dma_wait3A_311, %dma_wait3A_313] : memref<2x256xf32, #tpu.memory_space<vmem>> -> memref<1x256xf32, #tpu.memory_space<vmem>>
      %dma_wait3A_315 = tpu.memref_squeeze %dma_wait3A_314 : memref<1x256xf32, #tpu.memory_space<vmem>> -> memref<256xf32, #tpu.memory_space<vmem>>
      %dma_wait3A_316 = tpu.memref_slice %arg4[%add3A_286] : memref<3276800xf32, #tpu.memory_space<hbm>> -> memref<256xf32, #tpu.memory_space<hbm>>
      %dma_wait3A_317 = tpu.memref_slice %arg12[%dma_wait3A_312] : memref<2x!tpu.dma_semaphore, #tpu.memory_space<semaphore_mem>> -> memref<1x!tpu.dma_semaphore, #tpu.memory_space<semaphore_mem>>
      %dma_wait3A_318 = tpu.memref_squeeze %dma_wait3A_317 : memref<1x!tpu.dma_semaphore, #tpu.memory_space<semaphore_mem>> -> memref<!tpu.dma_semaphore, #tpu.memory_space<semaphore_mem>>
      %dma_wait3A_319 = arith.constant 0 : i32
      %dma_wait3A_320 = tpu.memref_slice %arg10[%dma_wait3A_311, %dma_wait3A_319] : memref<2x256xf32, #tpu.memory_space<vmem>> -> memref<1x256xf32, #tpu.memory_space<vmem>>
      %dma_wait3A_321 = tpu.memref_squeeze %dma_wait3A_320 : memref<1x256xf32, #tpu.memory_space<vmem>> -> memref<256xf32, #tpu.memory_space<vmem>>
      %dma_wait3A_322 = tpu.memref_slice %arg4[%add3A_286] : memref<3276800xf32, #tpu.memory_space<hbm>> -> memref<256xf32, #tpu.memory_space<hbm>>
      tpu.wait_dma2 semaphore(%dma_wait3A_318 : memref<!tpu.dma_semaphore, #tpu.memory_space<semaphore_mem>>) src(%dma_wait3A_322 : memref<256xf32, #tpu.memory_space<hbm>>) dst(%dma_wait3A_321 : memref<256xf32, #tpu.memory_space<vmem>>)
      %ge3A = arith.constant 2 : i32
      %ge3A_323 = arith.cmpi sge, %add3A_283, %ge3A : i32
      %convert_element_type3A = arith.extui %ge3A_323 : i1 to i32
      %cond3A = arith.constant 0 : i32
      %cond3A_324 = arith.cmpi ne, %convert_element_type3A, %cond3A : i32
      scf.if %cond3A_324 {
        %sub3A = arith.constant 2 : i32
        %sub3A_439 = arith.subi %add3A_283, %sub3A : i32
        %mul3A_440 = arith.constant 256 : i32
        %mul3A_441 = arith.muli %sub3A_439, %mul3A_440 : i32
        %add3A_442 = arith.addi %mul3A_2, %mul3A_441 : i32
        %dma_wait3A_443 = arith.constant 0 : i32
        %dma_wait3A_444 = arith.constant 0 : i32
        %dma_wait3A_445 = arith.constant 0 : i32
        %dma_wait3A_446 = arith.constant 0 : i32
        %dma_wait3A_447 = tpu.memref_slice %arg11[%dma_wait3A_443, %dma_wait3A_445, %dma_wait3A_446] : memref<2x256x128xf32, #tpu.memory_space<vmem>> -> memref<1x256x128xf32, #tpu.memory_space<vmem>>
        %dma_wait3A_448 = tpu.memref_squeeze %dma_wait3A_447 : memref<1x256x128xf32, #tpu.memory_space<vmem>> -> memref<256x128xf32, #tpu.memory_space<vmem>>
        %dma_wait3A_449 = arith.constant 0 : i32
        %dma_wait3A_450 = tpu.memref_slice %arg6[%add3A_442, %dma_wait3A_449] : memref<3276800x128xf32, #tpu.memory_space<hbm>> -> memref<256x128xf32, #tpu.memory_space<hbm>>
        %dma_wait3A_451 = tpu.memref_slice %arg13[%dma_wait3A_444] : memref<2x!tpu.dma_semaphore, #tpu.memory_space<semaphore_mem>> -> memref<1x!tpu.dma_semaphore, #tpu.memory_space<semaphore_mem>>
        %dma_wait3A_452 = tpu.memref_squeeze %dma_wait3A_451 : memref<1x!tpu.dma_semaphore, #tpu.memory_space<semaphore_mem>> -> memref<!tpu.dma_semaphore, #tpu.memory_space<semaphore_mem>>
        %dma_wait3A_453 = arith.constant 0 : i32
        %dma_wait3A_454 = tpu.memref_slice %arg6[%add3A_442, %dma_wait3A_453] : memref<3276800x128xf32, #tpu.memory_space<hbm>> -> memref<256x128xf32, #tpu.memory_space<hbm>>
        %dma_wait3A_455 = arith.constant 0 : i32
        %dma_wait3A_456 = arith.constant 0 : i32
        %dma_wait3A_457 = tpu.memref_slice %arg11[%dma_wait3A_443, %dma_wait3A_455, %dma_wait3A_456] : memref<2x256x128xf32, #tpu.memory_space<vmem>> -> memref<1x256x128xf32, #tpu.memory_space<vmem>>
        %dma_wait3A_458 = tpu.memref_squeeze %dma_wait3A_457 : memref<1x256x128xf32, #tpu.memory_space<vmem>> -> memref<256x128xf32, #tpu.memory_space<vmem>>
        tpu.wait_dma2 semaphore(%dma_wait3A_452 : memref<!tpu.dma_semaphore, #tpu.memory_space<semaphore_mem>>) src(%dma_wait3A_458 : memref<256x128xf32, #tpu.memory_space<vmem>>) dst(%dma_wait3A_454 : memref<256x128xf32, #tpu.memory_space<hbm>>)
      } else {
      }
      %scan3A_325 = arith.constant 0 : i32
      %scan3A_326 = arith.constant 0 : i32
      %scan3A_327 = arith.constant 16 : i32
      %scan3A_328 = arith.addi %scan3A_326, %scan3A_327 : i32
      %scan3A_329 = arith.constant 2 : i32
      %scan3A_330 = scf.for %scan3A_439 = %scan3A_326 to %scan3A_328 step %scan3A_329 iter_args(%scan3A_440 = %scan3A_325) -> (i32)  : i32 {
        %mul3A_441 = arith.constant 16 : i32
        %mul3A_442 = arith.muli %scan3A_439, %mul3A_441 : i32
        %get3A_443 = arith.constant 0 : i32
        %get3A_444 = arith.index_cast %get3A_443 : i32 to index
        %get3A_445 = arith.index_cast %mul3A_442 : i32 to index
        %get3A_446 = tpu.vector_load %arg8[%get3A_444, %get3A_445] {strides = array<i32>} : memref<2x256xi32, #tpu.memory_space<vmem>>, vector<1x16xi32>,
        %get3A_447 = vector.shape_cast %get3A_446 : vector<1x16xi32> to vector<16xi32>
        %convert_element_type3A_448 = arith.sitofp %get3A_447 : vector<16xi32> to vector<16xf32>
        %get3A_449 = arith.constant 0 : i32
        %get3A_450 = arith.index_cast %get3A_449 : i32 to index
        %get3A_451 = arith.index_cast %mul3A_442 : i32 to index
        %get3A_452 = tpu.vector_load %arg9[%get3A_450, %get3A_451] {strides = array<i32>} : memref<2x256xf32, #tpu.memory_space<vmem>>, vector<1x16xf32>,
        %get3A_453 = vector.shape_cast %get3A_452 : vector<1x16xf32> to vector<16xf32>
        %mul3A_454 = arith.constant 3.33333332E-6 : f32
        %mul3A_455 = vector.broadcast %mul3A_454 : f32 to vector<16xf32>
        %mul3A_456 = arith.mulf %get3A_453, %mul3A_455 : vector<16xf32>
        %jit3A = arith.constant 0.000000e+00 : f32
        %jit3A_457 = arith.constant 1.000000e+00 : f32
        %max3A = vector.broadcast %jit3A : f32 to vector<16xf32>
        %max3A_458 = arith.maximumf %max3A, %mul3A_456 : vector<16xf32>
        %min3A = vector.broadcast %jit3A_457 : f32 to vector<16xf32>
        %min3A_459 = arith.minimumf %min3A, %max3A_458 : vector<16xf32>
        %get3A_460 = arith.constant 0 : i32
        %get3A_461 = arith.index_cast %get3A_460 : i32 to index
        %get3A_462 = arith.index_cast %mul3A_442 : i32 to index
        %get3A_463 = tpu.vector_load %arg10[%get3A_461, %get3A_462] {strides = array<i32>} : memref<2x256xf32, #tpu.memory_space<vmem>>, vector<1x16xf32>,
        %get3A_464 = vector.shape_cast %get3A_463 : vector<1x16xf32> to vector<16xf32>
        %mul3A_465 = arith.constant 1.15740741E-5 : f32
        %mul3A_466 = vector.broadcast %mul3A_465 : f32 to vector<16xf32>
        %mul3A_467 = arith.mulf %get3A_464, %mul3A_466 : vector<16xf32>
        %jit3A_468 = arith.constant 0.000000e+00 : f32
        %jit3A_469 = arith.constant 1.000000e+00 : f32
        %max3A_470 = vector.broadcast %jit3A_468 : f32 to vector<16xf32>
        %max3A_471 = arith.maximumf %max3A_470, %mul3A_467 : vector<16xf32>
        %min3A_472 = vector.broadcast %jit3A_469 : f32 to vector<16xf32>
        %min3A_473 = arith.minimumf %min3A_472, %max3A_471 : vector<16xf32>
        %scan3A_474 = arith.constant 0 : i32
        %scan3A_475 = arith.constant 0 : i32
        %scan3A_476 = arith.constant 16 : i32
        %scan3A_477 = arith.addi %scan3A_475, %scan3A_476 : i32
        %scan3A_478 = arith.constant 1 : i32
        %scan3A_479 = scf.for %scan3A_528 = %scan3A_475 to %scan3A_477 step %scan3A_478 iter_args(%scan3A_529 = %scan3A_474) -> (i32)  : i32 {
          %broadcast_in_dim3A = vector.broadcast %scan3A_528 : i32 to vector<16xi32>
          %broadcast_in_dim3A_530 = vector.shape_cast %broadcast_in_dim3A : vector<16xi32> to vector<16x1xi32>
          %gather3A = vector.shape_cast %broadcast_in_dim3A_530 : vector<16x1xi32> to vector<16xi32>
          %gather3A_531 = tpu.dynamic_gather %convert_element_type3A_448[%gather3A] in [0] : vector<16xf32>, vector<16xi32> -> vector<16xf32>
          %broadcast_in_dim3A_532 = vector.shape_cast %broadcast_in_dim3A : vector<16xi32> to vector<16x1xi32>
          %gather3A_533 = vector.shape_cast %broadcast_in_dim3A_532 : vector<16x1xi32> to vector<16xi32>
          %gather3A_534 = tpu.dynamic_gather %min3A_459[%gather3A_533] in [0] : vector<16xf32>, vector<16xi32> -> vector<16xf32>
          %broadcast_in_dim3A_535 = vector.shape_cast %broadcast_in_dim3A : vector<16xi32> to vector<16x1xi32>
          %gather3A_536 = vector.shape_cast %broadcast_in_dim3A_535 : vector<16x1xi32> to vector<16xi32>
          %gather3A_537 = tpu.dynamic_gather %min3A_473[%gather3A_536] in [0] : vector<16xf32>, vector<16xi32> -> vector<16xf32>
          %mul3A_538 = arith.constant 16 : i32
          %mul3A_539 = arith.muli %scan3A_439, %mul3A_538 : i32
          %add3A_540 = arith.addi %mul3A_539, %scan3A_528 : i32
          %mul3A_541 = arith.mulf %gather3A_531, %get3A_46 : vector<16xf32>
          %add3A_542 = arith.addf %get3A_6, %mul3A_541 : vector<16xf32>
          %mul3A_543 = arith.mulf %gather3A_534, %get3A_86 : vector<16xf32>
          %add3A_544 = arith.addf %add3A_542, %mul3A_543 : vector<16xf32>
          %mul3A_545 = arith.mulf %gather3A_537, %get3A_126 : vector<16xf32>
          %add3A_546 = arith.addf %add3A_544, %mul3A_545 : vector<16xf32>
          %swap3A = arith.constant 0 : i32
          %swap3A_547 = arith.index_cast %swap3A : i32 to index
          %swap3A_548 = arith.index_cast %add3A_540 : i32 to index
          %swap3A_549 = arith.constant 0 : index
          %swap3A_550 = tpu.vector_load %arg11[%swap3A_547, %swap3A_548, %swap3A_549] {strides = array<i32>} : memref<2x256x128xf32, #tpu.memory_space<vmem>>, vector<1x1x16xf32>,
          %swap3A_551 = vector.shape_cast %swap3A_550 : vector<1x1x16xf32> to vector<16xf32>
          %swap3A_552 = vector.shape_cast %add3A_546 : vector<16xf32> to vector<1x1x16xf32>
          tpu.vector_store %arg11[%swap3A_547, %swap3A_548, %swap3A_549], %swap3A_552 {strides = array<i32>} : memref<2x256x128xf32, #tpu.memory_space<vmem>>, vector<1x1x16xf32>,
          %mul3A_553 = arith.mulf %gather3A_531, %get3A_51 : vector<16xf32>
          %add3A_554 = arith.addf %get3A_11, %mul3A_553 : vector<16xf32>
          %mul3A_555 = arith.mulf %gather3A_534, %get3A_91 : vector<16xf32>
          %add3A_556 = arith.addf %add3A_554, %mul3A_555 : vector<16xf32>
          %mul3A_557 = arith.mulf %gather3A_537, %get3A_131 : vector<16xf32>
          %add3A_558 = arith.addf %add3A_556, %mul3A_557 : vector<16xf32>
          %swap3A_559 = arith.constant 0 : i32
          %swap3A_560 = arith.index_cast %swap3A_559 : i32 to index
          %swap3A_561 = arith.index_cast %add3A_540 : i32 to index
          %swap3A_562 = arith.constant 16 : index
          %swap3A_563 = tpu.vector_load %arg11[%swap3A_560, %swap3A_561, %swap3A_562] {strides = array<i32>} : memref<2x256x128xf32, #tpu.memory_space<vmem>>, vector<1x1x16xf32>,
          %swap3A_564 = vector.shape_cast %swap3A_563 : vector<1x1x16xf32> to vector<16xf32>
          %swap3A_565 = vector.shape_cast %add3A_558 : vector<16xf32> to vector<1x1x16xf32>
          tpu.vector_store %arg11[%swap3A_560, %swap3A_561, %swap3A_562], %swap3A_565 {strides = array<i32>} : memref<2x256x128xf32, #tpu.memory_space<vmem>>, vector<1x1x16xf32>,
          %mul3A_566 = arith.mulf %gather3A_531, %get3A_56 : vector<16xf32>
          %add3A_567 = arith.addf %get3A_16, %mul3A_566 : vector<16xf32>
          %mul3A_568 = arith.mulf %gather3A_534, %get3A_96 : vector<16xf32>
          %add3A_569 = arith.addf %add3A_567, %mul3A_568 : vector<16xf32>
          %mul3A_570 = arith.mulf %gather3A_537, %get3A_136 : vector<16xf32>
          %add3A_571 = arith.addf %add3A_569, %mul3A_570 : vector<16xf32>
          %swap3A_572 = arith.constant 0 : i32
          %swap3A_573 = arith.index_cast %swap3A_572 : i32 to index
          %swap3A_574 = arith.index_cast %add3A_540 : i32 to index
          %swap3A_575 = arith.constant 32 : index
          %swap3A_576 = tpu.vector_load %arg11[%swap3A_573, %swap3A_574, %swap3A_575] {strides = array<i32>} : memref<2x256x128xf32, #tpu.memory_space<vmem>>, vector<1x1x16xf32>,
          %swap3A_577 = vector.shape_cast %swap3A_576 : vector<1x1x16xf32> to vector<16xf32>
          %swap3A_578 = vector.shape_cast %add3A_571 : vector<16xf32> to vector<1x1x16xf32>
          tpu.vector_store %arg11[%swap3A_573, %swap3A_574, %swap3A_575], %swap3A_578 {strides = array<i32>} : memref<2x256x128xf32, #tpu.memory_space<vmem>>, vector<1x1x16xf32>,
          %mul3A_579 = arith.mulf %gather3A_531, %get3A_61 : vector<16xf32>
          %add3A_580 = arith.addf %get3A_21, %mul3A_579 : vector<16xf32>
          %mul3A_581 = arith.mulf %gather3A_534, %get3A_101 : vector<16xf32>
          %add3A_582 = arith.addf %add3A_580, %mul3A_581 : vector<16xf32>
          %mul3A_583 = arith.mulf %gather3A_537, %get3A_141 : vector<16xf32>
          %add3A_584 = arith.addf %add3A_582, %mul3A_583 : vector<16xf32>
          %swap3A_585 = arith.constant 0 : i32
          %swap3A_586 = arith.index_cast %swap3A_585 : i32 to index
          %swap3A_587 = arith.index_cast %add3A_540 : i32 to index
          %swap3A_588 = arith.constant 48 : index
          %swap3A_589 = tpu.vector_load %arg11[%swap3A_586, %swap3A_587, %swap3A_588] {strides = array<i32>} : memref<2x256x128xf32, #tpu.memory_space<vmem>>, vector<1x1x16xf32>,
          %swap3A_590 = vector.shape_cast %swap3A_589 : vector<1x1x16xf32> to vector<16xf32>
          %swap3A_591 = vector.shape_cast %add3A_584 : vector<16xf32> to vector<1x1x16xf32>
          tpu.vector_store %arg11[%swap3A_586, %swap3A_587, %swap3A_588], %swap3A_591 {strides = array<i32>} : memref<2x256x128xf32, #tpu.memory_space<vmem>>, vector<1x1x16xf32>,
          %mul3A_592 = arith.mulf %gather3A_531, %get3A_66 : vector<16xf32>
          %add3A_593 = arith.addf %get3A_26, %mul3A_592 : vector<16xf32>
          %mul3A_594 = arith.mulf %gather3A_534, %get3A_106 : vector<16xf32>
          %add3A_595 = arith.addf %add3A_593, %mul3A_594 : vector<16xf32>
          %mul3A_596 = arith.mulf %gather3A_537, %get3A_146 : vector<16xf32>
          %add3A_597 = arith.addf %add3A_595, %mul3A_596 : vector<16xf32>
          %swap3A_598 = arith.constant 0 : i32
          %swap3A_599 = arith.index_cast %swap3A_598 : i32 to index
          %swap3A_600 = arith.index_cast %add3A_540 : i32 to index
          %swap3A_601 = arith.constant 64 : index
          %swap3A_602 = tpu.vector_load %arg11[%swap3A_599, %swap3A_600, %swap3A_601] {strides = array<i32>} : memref<2x256x128xf32, #tpu.memory_space<vmem>>, vector<1x1x16xf32>,
          %swap3A_603 = vector.shape_cast %swap3A_602 : vector<1x1x16xf32> to vector<16xf32>
          %swap3A_604 = vector.shape_cast %add3A_597 : vector<16xf32> to vector<1x1x16xf32>
          tpu.vector_store %arg11[%swap3A_599, %swap3A_600, %swap3A_601], %swap3A_604 {strides = array<i32>} : memref<2x256x128xf32, #tpu.memory_space<vmem>>, vector<1x1x16xf32>,
          %mul3A_605 = arith.mulf %gather3A_531, %get3A_71 : vector<16xf32>
          %add3A_606 = arith.addf %get3A_31, %mul3A_605 : vector<16xf32>
          %mul3A_607 = arith.mulf %gather3A_534, %get3A_111 : vector<16xf32>
          %add3A_608 = arith.addf %add3A_606, %mul3A_607 : vector<16xf32>
          %mul3A_609 = arith.mulf %gather3A_537, %get3A_151 : vector<16xf32>
          %add3A_610 = arith.addf %add3A_608, %mul3A_609 : vector<16xf32>
          %swap3A_611 = arith.constant 0 : i32
          %swap3A_612 = arith.index_cast %swap3A_611 : i32 to index
          %swap3A_613 = arith.index_cast %add3A_540 : i32 to index
          %swap3A_614 = arith.constant 80 : index
          %swap3A_615 = tpu.vector_load %arg11[%swap3A_612, %swap3A_613, %swap3A_614] {strides = array<i32>} : memref<2x256x128xf32, #tpu.memory_space<vmem>>, vector<1x1x16xf32>,
          %swap3A_616 = vector.shape_cast %swap3A_615 : vector<1x1x16xf32> to vector<16xf32>
          %swap3A_617 = vector.shape_cast %add3A_610 : vector<16xf32> to vector<1x1x16xf32>
          tpu.vector_store %arg11[%swap3A_612, %swap3A_613, %swap3A_614], %swap3A_617 {strides = array<i32>} : memref<2x256x128xf32, #tpu.memory_space<vmem>>, vector<1x1x16xf32>,
          %mul3A_618 = arith.mulf %gather3A_531, %get3A_76 : vector<16xf32>
          %add3A_619 = arith.addf %get3A_36, %mul3A_618 : vector<16xf32>
          %mul3A_620 = arith.mulf %gather3A_534, %get3A_116 : vector<16xf32>
          %add3A_621 = arith.addf %add3A_619, %mul3A_620 : vector<16xf32>
          %mul3A_622 = arith.mulf %gather3A_537, %get3A_156 : vector<16xf32>
          %add3A_623 = arith.addf %add3A_621, %mul3A_622 : vector<16xf32>
          %swap3A_624 = arith.constant 0 : i32
          %swap3A_625 = arith.index_cast %swap3A_624 : i32 to index
          %swap3A_626 = arith.index_cast %add3A_540 : i32 to index
          %swap3A_627 = arith.constant 96 : index
          %swap3A_628 = tpu.vector_load %arg11[%swap3A_625, %swap3A_626, %swap3A_627] {strides = array<i32>} : memref<2x256x128xf32, #tpu.memory_space<vmem>>, vector<1x1x16xf32>,
          %swap3A_629 = vector.shape_cast %swap3A_628 : vector<1x1x16xf32> to vector<16xf32>
          %swap3A_630 = vector.shape_cast %add3A_623 : vector<16xf32> to vector<1x1x16xf32>
          tpu.vector_store %arg11[%swap3A_625, %swap3A_626, %swap3A_627], %swap3A_630 {strides = array<i32>} : memref<2x256x128xf32, #tpu.memory_space<vmem>>, vector<1x1x16xf32>,
          %mul3A_631 = arith.mulf %gather3A_531, %get3A_81 : vector<16xf32>
          %add3A_632 = arith.addf %get3A_41, %mul3A_631 : vector<16xf32>
          %mul3A_633 = arith.mulf %gather3A_534, %get3A_121 : vector<16xf32>
          %add3A_634 = arith.addf %add3A_632, %mul3A_633 : vector<16xf32>
          %mul3A_635 = arith.mulf %gather3A_537, %get3A_161 : vector<16xf32>
          %add3A_636 = arith.addf %add3A_634, %mul3A_635 : vector<16xf32>
          %swap3A_637 = arith.constant 0 : i32
          %swap3A_638 = arith.index_cast %swap3A_637 : i32 to index
          %swap3A_639 = arith.index_cast %add3A_540 : i32 to index
          %swap3A_640 = arith.constant 112 : index
          %swap3A_641 = tpu.vector_load %arg11[%swap3A_638, %swap3A_639, %swap3A_640] {strides = array<i32>} : memref<2x256x128xf32, #tpu.memory_space<vmem>>, vector<1x1x16xf32>,
          %swap3A_642 = vector.shape_cast %swap3A_641 : vector<1x1x16xf32> to vector<16xf32>
          %swap3A_643 = vector.shape_cast %add3A_636 : vector<16xf32> to vector<1x1x16xf32>
          tpu.vector_store %arg11[%swap3A_638, %swap3A_639, %swap3A_640], %swap3A_643 {strides = array<i32>} : memref<2x256x128xf32, #tpu.memory_space<vmem>>, vector<1x1x16xf32>,
          %scan3A_644 = arith.constant 0 : i32
          scf.yield %scan3A_644 : i32
        }
        %scan3A_480 = arith.constant 16 : i32
        %scan3A_481 = arith.constant 0 : i32
        %scan3A_482 = arith.constant 1 : i32
        %scan3A_483 = arith.addi %scan3A_439, %scan3A_482 : i32
        %mul3A_484 = arith.constant 16 : i32
        %mul3A_485 = arith.muli %scan3A_483, %mul3A_484 : i32
        %get3A_486 = arith.constant 0 : i32
        %get3A_487 = arith.index_cast %get3A_486 : i32 to index
        %get3A_488 = arith.index_cast %mul3A_485 : i32 to index
        %get3A_489 = tpu.vector_load %arg8[%get3A_487, %get3A_488] {strides = array<i32>} : memref<2x256xi32, #tpu.memory_space<vmem>>, vector<1x16xi32>,
        %get3A_490 = vector.shape_cast %get3A_489 : vector<1x16xi32> to vector<16xi32>
        %convert_element_type3A_491 = arith.sitofp %get3A_490 : vector<16xi32> to vector<16xf32>
        %get3A_492 = arith.constant 0 : i32
        %get3A_493 = arith.index_cast %get3A_492 : i32 to index
        %get3A_494 = arith.index_cast %mul3A_485 : i32 to index
        %get3A_495 = tpu.vector_load %arg9[%get3A_493, %get3A_494] {strides = array<i32>} : memref<2x256xf32, #tpu.memory_space<vmem>>, vector<1x16xf32>,
        %get3A_496 = vector.shape_cast %get3A_495 : vector<1x16xf32> to vector<16xf32>
        %mul3A_497 = arith.constant 3.33333332E-6 : f32
        %mul3A_498 = vector.broadcast %mul3A_497 : f32 to vector<16xf32>
        %mul3A_499 = arith.mulf %get3A_496, %mul3A_498 : vector<16xf32>
        %jit3A_500 = arith.constant 0.000000e+00 : f32
        %jit3A_501 = arith.constant 1.000000e+00 : f32
        %max3A_502 = vector.broadcast %jit3A_500 : f32 to vector<16xf32>
        %max3A_503 = arith.maximumf %max3A_502, %mul3A_499 : vector<16xf32>
        %min3A_504 = vector.broadcast %jit3A_501 : f32 to vector<16xf32>
        %min3A_505 = arith.minimumf %min3A_504, %max3A_503 : vector<16xf32>
        %get3A_506 = arith.constant 0 : i32
        %get3A_507 = arith.index_cast %get3A_506 : i32 to index
        %get3A_508 = arith.index_cast %mul3A_485 : i32 to index
        %get3A_509 = tpu.vector_load %arg10[%get3A_507, %get3A_508] {strides = array<i32>} : memref<2x256xf32, #tpu.memory_space<vmem>>, vector<1x16xf32>,
        %get3A_510 = vector.shape_cast %get3A_509 : vector<1x16xf32> to vector<16xf32>
        %mul3A_511 = arith.constant 1.15740741E-5 : f32
        %mul3A_512 = vector.broadcast %mul3A_511 : f32 to vector<16xf32>
        %mul3A_513 = arith.mulf %get3A_510, %mul3A_512 : vector<16xf32>
        %jit3A_514 = arith.constant 0.000000e+00 : f32
        %jit3A_515 = arith.constant 1.000000e+00 : f32
        %max3A_516 = vector.broadcast %jit3A_514 : f32 to vector<16xf32>
        %max3A_517 = arith.maximumf %max3A_516, %mul3A_513 : vector<16xf32>
        %min3A_518 = vector.broadcast %jit3A_515 : f32 to vector<16xf32>
        %min3A_519 = arith.minimumf %min3A_518, %max3A_517 : vector<16xf32>
        %scan3A_520 = arith.constant 0 : i32
        %scan3A_521 = arith.constant 0 : i32
        %scan3A_522 = arith.constant 16 : i32
        %scan3A_523 = arith.addi %scan3A_521, %scan3A_522 : i32
        %scan3A_524 = arith.constant 1 : i32
        %scan3A_525 = scf.for %scan3A_528 = %scan3A_521 to %scan3A_523 step %scan3A_524 iter_args(%scan3A_529 = %scan3A_520) -> (i32)  : i32 {
          %broadcast_in_dim3A = vector.broadcast %scan3A_528 : i32 to vector<16xi32>
          %broadcast_in_dim3A_530 = vector.shape_cast %broadcast_in_dim3A : vector<16xi32> to vector<16x1xi32>
          %gather3A = vector.shape_cast %broadcast_in_dim3A_530 : vector<16x1xi32> to vector<16xi32>
          %gather3A_531 = tpu.dynamic_gather %convert_element_type3A_491[%gather3A] in [0] : vector<16xf32>, vector<16xi32> -> vector<16xf32>
          %broadcast_in_dim3A_532 = vector.shape_cast %broadcast_in_dim3A : vector<16xi32> to vector<16x1xi32>
          %gather3A_533 = vector.shape_cast %broadcast_in_dim3A_532 : vector<16x1xi32> to vector<16xi32>
          %gather3A_534 = tpu.dynamic_gather %min3A_505[%gather3A_533] in [0] : vector<16xf32>, vector<16xi32> -> vector<16xf32>
          %broadcast_in_dim3A_535 = vector.shape_cast %broadcast_in_dim3A : vector<16xi32> to vector<16x1xi32>
          %gather3A_536 = vector.shape_cast %broadcast_in_dim3A_535 : vector<16x1xi32> to vector<16xi32>
          %gather3A_537 = tpu.dynamic_gather %min3A_519[%gather3A_536] in [0] : vector<16xf32>, vector<16xi32> -> vector<16xf32>
          %mul3A_538 = arith.constant 16 : i32
          %mul3A_539 = arith.muli %scan3A_483, %mul3A_538 : i32
          %add3A_540 = arith.addi %mul3A_539, %scan3A_528 : i32
          %mul3A_541 = arith.mulf %gather3A_531, %get3A_46 : vector<16xf32>
          %add3A_542 = arith.addf %get3A_6, %mul3A_541 : vector<16xf32>
          %mul3A_543 = arith.mulf %gather3A_534, %get3A_86 : vector<16xf32>
          %add3A_544 = arith.addf %add3A_542, %mul3A_543 : vector<16xf32>
          %mul3A_545 = arith.mulf %gather3A_537, %get3A_126 : vector<16xf32>
          %add3A_546 = arith.addf %add3A_544, %mul3A_545 : vector<16xf32>
          %swap3A = arith.constant 0 : i32
          %swap3A_547 = arith.index_cast %swap3A : i32 to index
          %swap3A_548 = arith.index_cast %add3A_540 : i32 to index
          %swap3A_549 = arith.constant 0 : index
          %swap3A_550 = tpu.vector_load %arg11[%swap3A_547, %swap3A_548, %swap3A_549] {strides = array<i32>} : memref<2x256x128xf32, #tpu.memory_space<vmem>>, vector<1x1x16xf32>,
          %swap3A_551 = vector.shape_cast %swap3A_550 : vector<1x1x16xf32> to vector<16xf32>
          %swap3A_552 = vector.shape_cast %add3A_546 : vector<16xf32> to vector<1x1x16xf32>
          tpu.vector_store %arg11[%swap3A_547, %swap3A_548, %swap3A_549], %swap3A_552 {strides = array<i32>} : memref<2x256x128xf32, #tpu.memory_space<vmem>>, vector<1x1x16xf32>,
          %mul3A_553 = arith.mulf %gather3A_531, %get3A_51 : vector<16xf32>
          %add3A_554 = arith.addf %get3A_11, %mul3A_553 : vector<16xf32>
          %mul3A_555 = arith.mulf %gather3A_534, %get3A_91 : vector<16xf32>
          %add3A_556 = arith.addf %add3A_554, %mul3A_555 : vector<16xf32>
          %mul3A_557 = arith.mulf %gather3A_537, %get3A_131 : vector<16xf32>
          %add3A_558 = arith.addf %add3A_556, %mul3A_557 : vector<16xf32>
          %swap3A_559 = arith.constant 0 : i32
          %swap3A_560 = arith.index_cast %swap3A_559 : i32 to index
          %swap3A_561 = arith.index_cast %add3A_540 : i32 to index
          %swap3A_562 = arith.constant 16 : index
          %swap3A_563 = tpu.vector_load %arg11[%swap3A_560, %swap3A_561, %swap3A_562] {strides = array<i32>} : memref<2x256x128xf32, #tpu.memory_space<vmem>>, vector<1x1x16xf32>,
          %swap3A_564 = vector.shape_cast %swap3A_563 : vector<1x1x16xf32> to vector<16xf32>
          %swap3A_565 = vector.shape_cast %add3A_558 : vector<16xf32> to vector<1x1x16xf32>
          tpu.vector_store %arg11[%swap3A_560, %swap3A_561, %swap3A_562], %swap3A_565 {strides = array<i32>} : memref<2x256x128xf32, #tpu.memory_space<vmem>>, vector<1x1x16xf32>,
          %mul3A_566 = arith.mulf %gather3A_531, %get3A_56 : vector<16xf32>
          %add3A_567 = arith.addf %get3A_16, %mul3A_566 : vector<16xf32>
          %mul3A_568 = arith.mulf %gather3A_534, %get3A_96 : vector<16xf32>
          %add3A_569 = arith.addf %add3A_567, %mul3A_568 : vector<16xf32>
          %mul3A_570 = arith.mulf %gather3A_537, %get3A_136 : vector<16xf32>
          %add3A_571 = arith.addf %add3A_569, %mul3A_570 : vector<16xf32>
          %swap3A_572 = arith.constant 0 : i32
          %swap3A_573 = arith.index_cast %swap3A_572 : i32 to index
          %swap3A_574 = arith.index_cast %add3A_540 : i32 to index
          %swap3A_575 = arith.constant 32 : index
          %swap3A_576 = tpu.vector_load %arg11[%swap3A_573, %swap3A_574, %swap3A_575] {strides = array<i32>} : memref<2x256x128xf32, #tpu.memory_space<vmem>>, vector<1x1x16xf32>,
          %swap3A_577 = vector.shape_cast %swap3A_576 : vector<1x1x16xf32> to vector<16xf32>
          %swap3A_578 = vector.shape_cast %add3A_571 : vector<16xf32> to vector<1x1x16xf32>
          tpu.vector_store %arg11[%swap3A_573, %swap3A_574, %swap3A_575], %swap3A_578 {strides = array<i32>} : memref<2x256x128xf32, #tpu.memory_space<vmem>>, vector<1x1x16xf32>,
          %mul3A_579 = arith.mulf %gather3A_531, %get3A_61 : vector<16xf32>
          %add3A_580 = arith.addf %get3A_21, %mul3A_579 : vector<16xf32>
          %mul3A_581 = arith.mulf %gather3A_534, %get3A_101 : vector<16xf32>
          %add3A_582 = arith.addf %add3A_580, %mul3A_581 : vector<16xf32>
          %mul3A_583 = arith.mulf %gather3A_537, %get3A_141 : vector<16xf32>
          %add3A_584 = arith.addf %add3A_582, %mul3A_583 : vector<16xf32>
          %swap3A_585 = arith.constant 0 : i32
          %swap3A_586 = arith.index_cast %swap3A_585 : i32 to index
          %swap3A_587 = arith.index_cast %add3A_540 : i32 to index
          %swap3A_588 = arith.constant 48 : index
          %swap3A_589 = tpu.vector_load %arg11[%swap3A_586, %swap3A_587, %swap3A_588] {strides = array<i32>} : memref<2x256x128xf32, #tpu.memory_space<vmem>>, vector<1x1x16xf32>,
          %swap3A_590 = vector.shape_cast %swap3A_589 : vector<1x1x16xf32> to vector<16xf32>
          %swap3A_591 = vector.shape_cast %add3A_584 : vector<16xf32> to vector<1x1x16xf32>
          tpu.vector_store %arg11[%swap3A_586, %swap3A_587, %swap3A_588], %swap3A_591 {strides = array<i32>} : memref<2x256x128xf32, #tpu.memory_space<vmem>>, vector<1x1x16xf32>,
          %mul3A_592 = arith.mulf %gather3A_531, %get3A_66 : vector<16xf32>
          %add3A_593 = arith.addf %get3A_26, %mul3A_592 : vector<16xf32>
          %mul3A_594 = arith.mulf %gather3A_534, %get3A_106 : vector<16xf32>
          %add3A_595 = arith.addf %add3A_593, %mul3A_594 : vector<16xf32>
          %mul3A_596 = arith.mulf %gather3A_537, %get3A_146 : vector<16xf32>
          %add3A_597 = arith.addf %add3A_595, %mul3A_596 : vector<16xf32>
          %swap3A_598 = arith.constant 0 : i32
          %swap3A_599 = arith.index_cast %swap3A_598 : i32 to index
          %swap3A_600 = arith.index_cast %add3A_540 : i32 to index
          %swap3A_601 = arith.constant 64 : index
          %swap3A_602 = tpu.vector_load %arg11[%swap3A_599, %swap3A_600, %swap3A_601] {strides = array<i32>} : memref<2x256x128xf32, #tpu.memory_space<vmem>>, vector<1x1x16xf32>,
          %swap3A_603 = vector.shape_cast %swap3A_602 : vector<1x1x16xf32> to vector<16xf32>
          %swap3A_604 = vector.shape_cast %add3A_597 : vector<16xf32> to vector<1x1x16xf32>
          tpu.vector_store %arg11[%swap3A_599, %swap3A_600, %swap3A_601], %swap3A_604 {strides = array<i32>} : memref<2x256x128xf32, #tpu.memory_space<vmem>>, vector<1x1x16xf32>,
          %mul3A_605 = arith.mulf %gather3A_531, %get3A_71 : vector<16xf32>
          %add3A_606 = arith.addf %get3A_31, %mul3A_605 : vector<16xf32>
          %mul3A_607 = arith.mulf %gather3A_534, %get3A_111 : vector<16xf32>
          %add3A_608 = arith.addf %add3A_606, %mul3A_607 : vector<16xf32>
          %mul3A_609 = arith.mulf %gather3A_537, %get3A_151 : vector<16xf32>
          %add3A_610 = arith.addf %add3A_608, %mul3A_609 : vector<16xf32>
          %swap3A_611 = arith.constant 0 : i32
          %swap3A_612 = arith.index_cast %swap3A_611 : i32 to index
          %swap3A_613 = arith.index_cast %add3A_540 : i32 to index
          %swap3A_614 = arith.constant 80 : index
          %swap3A_615 = tpu.vector_load %arg11[%swap3A_612, %swap3A_613, %swap3A_614] {strides = array<i32>} : memref<2x256x128xf32, #tpu.memory_space<vmem>>, vector<1x1x16xf32>,
          %swap3A_616 = vector.shape_cast %swap3A_615 : vector<1x1x16xf32> to vector<16xf32>
          %swap3A_617 = vector.shape_cast %add3A_610 : vector<16xf32> to vector<1x1x16xf32>
          tpu.vector_store %arg11[%swap3A_612, %swap3A_613, %swap3A_614], %swap3A_617 {strides = array<i32>} : memref<2x256x128xf32, #tpu.memory_space<vmem>>, vector<1x1x16xf32>,
          %mul3A_618 = arith.mulf %gather3A_531, %get3A_76 : vector<16xf32>
          %add3A_619 = arith.addf %get3A_36, %mul3A_618 : vector<16xf32>
          %mul3A_620 = arith.mulf %gather3A_534, %get3A_116 : vector<16xf32>
          %add3A_621 = arith.addf %add3A_619, %mul3A_620 : vector<16xf32>
          %mul3A_622 = arith.mulf %gather3A_537, %get3A_156 : vector<16xf32>
          %add3A_623 = arith.addf %add3A_621, %mul3A_622 : vector<16xf32>
          %swap3A_624 = arith.constant 0 : i32
          %swap3A_625 = arith.index_cast %swap3A_624 : i32 to index
          %swap3A_626 = arith.index_cast %add3A_540 : i32 to index
          %swap3A_627 = arith.constant 96 : index
          %swap3A_628 = tpu.vector_load %arg11[%swap3A_625, %swap3A_626, %swap3A_627] {strides = array<i32>} : memref<2x256x128xf32, #tpu.memory_space<vmem>>, vector<1x1x16xf32>,
          %swap3A_629 = vector.shape_cast %swap3A_628 : vector<1x1x16xf32> to vector<16xf32>
          %swap3A_630 = vector.shape_cast %add3A_623 : vector<16xf32> to vector<1x1x16xf32>
          tpu.vector_store %arg11[%swap3A_625, %swap3A_626, %swap3A_627], %swap3A_630 {strides = array<i32>} : memref<2x256x128xf32, #tpu.memory_space<vmem>>, vector<1x1x16xf32>,
          %mul3A_631 = arith.mulf %gather3A_531, %get3A_81 : vector<16xf32>
          %add3A_632 = arith.addf %get3A_41, %mul3A_631 : vector<16xf32>
          %mul3A_633 = arith.mulf %gather3A_534, %get3A_121 : vector<16xf32>
          %add3A_634 = arith.addf %add3A_632, %mul3A_633 : vector<16xf32>
          %mul3A_635 = arith.mulf %gather3A_537, %get3A_161 : vector<16xf32>
          %add3A_636 = arith.addf %add3A_634, %mul3A_635 : vector<16xf32>
          %swap3A_637 = arith.constant 0 : i32
          %swap3A_638 = arith.index_cast %swap3A_637 : i32 to index
          %swap3A_639 = arith.index_cast %add3A_540 : i32 to index
          %swap3A_640 = arith.constant 112 : index
          %swap3A_641 = tpu.vector_load %arg11[%swap3A_638, %swap3A_639, %swap3A_640] {strides = array<i32>} : memref<2x256x128xf32, #tpu.memory_space<vmem>>, vector<1x1x16xf32>,
          %swap3A_642 = vector.shape_cast %swap3A_641 : vector<1x1x16xf32> to vector<16xf32>
          %swap3A_643 = vector.shape_cast %add3A_636 : vector<16xf32> to vector<1x1x16xf32>
          tpu.vector_store %arg11[%swap3A_638, %swap3A_639, %swap3A_640], %swap3A_643 {strides = array<i32>} : memref<2x256x128xf32, #tpu.memory_space<vmem>>, vector<1x1x16xf32>,
          %scan3A_644 = arith.constant 0 : i32
          scf.yield %scan3A_644 : i32
        }
        %scan3A_526 = arith.constant 16 : i32
        %scan3A_527 = arith.constant 0 : i32
        scf.yield %scan3A_527 : i32
      }
      %scan3A_331 = arith.constant 16 : i32
      %mul3A_332 = arith.constant 256 : i32
      %mul3A_333 = arith.muli %add3A_283, %mul3A_332 : i32
      %add3A_334 = arith.addi %mul3A_2, %mul3A_333 : i32
      %dma_start3A_335 = arith.constant 0 : i32
      %dma_start3A_336 = arith.constant 0 : i32
      %dma_start3A_337 = arith.constant 0 : i32
      %dma_start3A_338 = arith.constant 0 : i32
      %dma_start3A_339 = tpu.memref_slice %arg11[%dma_start3A_335, %dma_start3A_337, %dma_start3A_338] : memref<2x256x128xf32, #tpu.memory_space<vmem>> -> memref<1x256x128xf32, #tpu.memory_space<vmem>>
      %dma_start3A_340 = tpu.memref_squeeze %dma_start3A_339 : memref<1x256x128xf32, #tpu.memory_space<vmem>> -> memref<256x128xf32, #tpu.memory_space<vmem>>
      %dma_start3A_341 = arith.constant 0 : i32
      %dma_start3A_342 = tpu.memref_slice %arg6[%add3A_334, %dma_start3A_341] : memref<3276800x128xf32, #tpu.memory_space<hbm>> -> memref<256x128xf32, #tpu.memory_space<hbm>>
      %dma_start3A_343 = tpu.memref_slice %arg13[%dma_start3A_336] : memref<2x!tpu.dma_semaphore, #tpu.memory_space<semaphore_mem>> -> memref<1x!tpu.dma_semaphore, #tpu.memory_space<semaphore_mem>>
      %dma_start3A_344 = tpu.memref_squeeze %dma_start3A_343 : memref<1x!tpu.dma_semaphore, #tpu.memory_space<semaphore_mem>> -> memref<!tpu.dma_semaphore, #tpu.memory_space<semaphore_mem>>
      %dma_start3A_345 = arith.constant 0 : i32
      %dma_start3A_346 = tpu.memref_slice %arg6[%add3A_334, %dma_start3A_345] : memref<3276800x128xf32, #tpu.memory_space<hbm>> -> memref<256x128xf32, #tpu.memory_space<hbm>>
      %dma_start3A_347 = arith.constant 0 : i32
      %dma_start3A_348 = arith.constant 0 : i32
      %dma_start3A_349 = tpu.memref_slice %arg11[%dma_start3A_335, %dma_start3A_347, %dma_start3A_348] : memref<2x256x128xf32, #tpu.memory_space<vmem>> -> memref<1x256x128xf32, #tpu.memory_space<vmem>>
      %dma_start3A_350 = tpu.memref_squeeze %dma_start3A_349 : memref<1x256x128xf32, #tpu.memory_space<vmem>> -> memref<256x128xf32, #tpu.memory_space<vmem>>
      tpu.enqueue_dma source(%dma_start3A_350 : memref<256x128xf32, #tpu.memory_space<vmem>>) target(%dma_start3A_346 : memref<256x128xf32, #tpu.memory_space<hbm>>) target_semaphore(%dma_start3A_344 : memref<!tpu.dma_semaphore, #tpu.memory_space<semaphore_mem>>)
      %add3A_351 = arith.constant 2 : i32
      %add3A_352 = arith.addi %add3A_283, %add3A_351 : i32
      %lt3A = arith.constant 400 : i32
      %lt3A_353 = arith.cmpi slt, %add3A_352, %lt3A : i32
      %convert_element_type3A_354 = arith.extui %lt3A_353 : i1 to i32
      %cond3A_355 = arith.constant 0 : i32
      %cond3A_356 = arith.cmpi ne, %convert_element_type3A_354, %cond3A_355 : i32
      scf.if %cond3A_356 {
        %add3A_439 = arith.constant 2 : i32
        %add3A_440 = arith.addi %add3A_283, %add3A_439 : i32
        %mul3A_441 = arith.constant 256 : i32
        %mul3A_442 = arith.muli %add3A_440, %mul3A_441 : i32
        %add3A_443 = arith.addi %mul3A_2, %mul3A_442 : i32
        %dma_start3A_444 = arith.constant 0 : i32
        %dma_start3A_445 = arith.constant 0 : i32
        %dma_start3A_446 = arith.constant 0 : i32
        %dma_start3A_447 = tpu.memref_slice %arg8[%dma_start3A_444, %dma_start3A_446] : memref<2x256xi32, #tpu.memory_space<vmem>> -> memref<1x256xi32, #tpu.memory_space<vmem>>
        %dma_start3A_448 = tpu.memref_squeeze %dma_start3A_447 : memref<1x256xi32, #tpu.memory_space<vmem>> -> memref<256xi32, #tpu.memory_space<vmem>>
        %dma_start3A_449 = tpu.memref_slice %arg2[%add3A_443] : memref<3276800xi32, #tpu.memory_space<hbm>> -> memref<256xi32, #tpu.memory_space<hbm>>
        %dma_start3A_450 = tpu.memref_slice %arg12[%dma_start3A_445] : memref<2x!tpu.dma_semaphore, #tpu.memory_space<semaphore_mem>> -> memref<1x!tpu.dma_semaphore, #tpu.memory_space<semaphore_mem>>
        %dma_start3A_451 = tpu.memref_squeeze %dma_start3A_450 : memref<1x!tpu.dma_semaphore, #tpu.memory_space<semaphore_mem>> -> memref<!tpu.dma_semaphore, #tpu.memory_space<semaphore_mem>>
        %dma_start3A_452 = arith.constant 0 : i32
        %dma_start3A_453 = tpu.memref_slice %arg8[%dma_start3A_444, %dma_start3A_452] : memref<2x256xi32, #tpu.memory_space<vmem>> -> memref<1x256xi32, #tpu.memory_space<vmem>>
        %dma_start3A_454 = tpu.memref_squeeze %dma_start3A_453 : memref<1x256xi32, #tpu.memory_space<vmem>> -> memref<256xi32, #tpu.memory_space<vmem>>
        %dma_start3A_455 = tpu.memref_slice %arg2[%add3A_443] : memref<3276800xi32, #tpu.memory_space<hbm>> -> memref<256xi32, #tpu.memory_space<hbm>>
        tpu.enqueue_dma source(%dma_start3A_455 : memref<256xi32, #tpu.memory_space<hbm>>) target(%dma_start3A_454 : memref<256xi32, #tpu.memory_space<vmem>>) target_semaphore(%dma_start3A_451 : memref<!tpu.dma_semaphore, #tpu.memory_space<semaphore_mem>>)
        %dma_start3A_456 = arith.constant 0 : i32
        %dma_start3A_457 = arith.constant 0 : i32
        %dma_start3A_458 = arith.constant 0 : i32
        %dma_start3A_459 = tpu.memref_slice %arg9[%dma_start3A_456, %dma_start3A_458] : memref<2x256xf32, #tpu.memory_space<vmem>> -> memref<1x256xf32, #tpu.memory_space<vmem>>
        %dma_start3A_460 = tpu.memref_squeeze %dma_start3A_459 : memref<1x256xf32, #tpu.memory_space<vmem>> -> memref<256xf32, #tpu.memory_space<vmem>>
        %dma_start3A_461 = tpu.memref_slice %arg3[%add3A_443] : memref<3276800xf32, #tpu.memory_space<hbm>> -> memref<256xf32, #tpu.memory_space<hbm>>
        %dma_start3A_462 = tpu.memref_slice %arg12[%dma_start3A_457] : memref<2x!tpu.dma_semaphore, #tpu.memory_space<semaphore_mem>> -> memref<1x!tpu.dma_semaphore, #tpu.memory_space<semaphore_mem>>
        %dma_start3A_463 = tpu.memref_squeeze %dma_start3A_462 : memref<1x!tpu.dma_semaphore, #tpu.memory_space<semaphore_mem>> -> memref<!tpu.dma_semaphore, #tpu.memory_space<semaphore_mem>>
        %dma_start3A_464 = arith.constant 0 : i32
        %dma_start3A_465 = tpu.memref_slice %arg9[%dma_start3A_456, %dma_start3A_464] : memref<2x256xf32, #tpu.memory_space<vmem>> -> memref<1x256xf32, #tpu.memory_space<vmem>>
        %dma_start3A_466 = tpu.memref_squeeze %dma_start3A_465 : memref<1x256xf32, #tpu.memory_space<vmem>> -> memref<256xf32, #tpu.memory_space<vmem>>
        %dma_start3A_467 = tpu.memref_slice %arg3[%add3A_443] : memref<3276800xf32, #tpu.memory_space<hbm>> -> memref<256xf32, #tpu.memory_space<hbm>>
        tpu.enqueue_dma source(%dma_start3A_467 : memref<256xf32, #tpu.memory_space<hbm>>) target(%dma_start3A_466 : memref<256xf32, #tpu.memory_space<vmem>>) target_semaphore(%dma_start3A_463 : memref<!tpu.dma_semaphore, #tpu.memory_space<semaphore_mem>>)
        %dma_start3A_468 = arith.constant 0 : i32
        %dma_start3A_469 = arith.constant 0 : i32
        %dma_start3A_470 = arith.constant 0 : i32
        %dma_start3A_471 = tpu.memref_slice %arg10[%dma_start3A_468, %dma_start3A_470] : memref<2x256xf32, #tpu.memory_space<vmem>> -> memref<1x256xf32, #tpu.memory_space<vmem>>
        %dma_start3A_472 = tpu.memref_squeeze %dma_start3A_471 : memref<1x256xf32, #tpu.memory_space<vmem>> -> memref<256xf32, #tpu.memory_space<vmem>>
        %dma_start3A_473 = tpu.memref_slice %arg4[%add3A_443] : memref<3276800xf32, #tpu.memory_space<hbm>> -> memref<256xf32, #tpu.memory_space<hbm>>
        %dma_start3A_474 = tpu.memref_slice %arg12[%dma_start3A_469] : memref<2x!tpu.dma_semaphore, #tpu.memory_space<semaphore_mem>> -> memref<1x!tpu.dma_semaphore, #tpu.memory_space<semaphore_mem>>
        %dma_start3A_475 = tpu.memref_squeeze %dma_start3A_474 : memref<1x!tpu.dma_semaphore, #tpu.memory_space<semaphore_mem>> -> memref<!tpu.dma_semaphore, #tpu.memory_space<semaphore_mem>>
        %dma_start3A_476 = arith.constant 0 : i32
        %dma_start3A_477 = tpu.memref_slice %arg10[%dma_start3A_468, %dma_start3A_476] : memref<2x256xf32, #tpu.memory_space<vmem>> -> memref<1x256xf32, #tpu.memory_space<vmem>>
        %dma_start3A_478 = tpu.memref_squeeze %dma_start3A_477 : memref<1x256xf32, #tpu.memory_space<vmem>> -> memref<256xf32, #tpu.memory_space<vmem>>
        %dma_start3A_479 = tpu.memref_slice %arg4[%add3A_443] : memref<3276800xf32, #tpu.memory_space<hbm>> -> memref<256xf32, #tpu.memory_space<hbm>>
        tpu.enqueue_dma source(%dma_start3A_479 : memref<256xf32, #tpu.memory_space<hbm>>) target(%dma_start3A_478 : memref<256xf32, #tpu.memory_space<vmem>>) target_semaphore(%dma_start3A_475 : memref<!tpu.dma_semaphore, #tpu.memory_space<semaphore_mem>>)
      } else {
      }
      %mul3A_357 = arith.constant 2 : i32
      %mul3A_358 = arith.muli %scan3A_278, %mul3A_357 : i32
      %add3A_359 = arith.constant 1 : i32
      %add3A_360 = arith.addi %mul3A_358, %add3A_359 : i32
      %mul3A_361 = arith.constant 256 : i32
      %mul3A_362 = arith.muli %add3A_360, %mul3A_361 : i32
      %add3A_363 = arith.addi %mul3A_2, %mul3A_362 : i32
      %dma_wait3A_364 = arith.constant 1 : i32
      %dma_wait3A_365 = arith.constant 1 : i32
      %dma_wait3A_366 = arith.constant 0 : i32
      %dma_wait3A_367 = tpu.memref_slice %arg8[%dma_wait3A_364, %dma_wait3A_366] : memref<2x256xi32, #tpu.memory_space<vmem>> -> memref<1x256xi32, #tpu.memory_space<vmem>>
      %dma_wait3A_368 = tpu.memref_squeeze %dma_wait3A_367 : memref<1x256xi32, #tpu.memory_space<vmem>> -> memref<256xi32, #tpu.memory_space<vmem>>
      %dma_wait3A_369 = tpu.memref_slice %arg2[%add3A_363] : memref<3276800xi32, #tpu.memory_space<hbm>> -> memref<256xi32, #tpu.memory_space<hbm>>
      %dma_wait3A_370 = tpu.memref_slice %arg12[%dma_wait3A_365] : memref<2x!tpu.dma_semaphore, #tpu.memory_space<semaphore_mem>> -> memref<1x!tpu.dma_semaphore, #tpu.memory_space<semaphore_mem>>
      %dma_wait3A_371 = tpu.memref_squeeze %dma_wait3A_370 : memref<1x!tpu.dma_semaphore, #tpu.memory_space<semaphore_mem>> -> memref<!tpu.dma_semaphore, #tpu.memory_space<semaphore_mem>>
      %dma_wait3A_372 = arith.constant 0 : i32
      %dma_wait3A_373 = tpu.memref_slice %arg8[%dma_wait3A_364, %dma_wait3A_372] : memref<2x256xi32, #tpu.memory_space<vmem>> -> memref<1x256xi32, #tpu.memory_space<vmem>>
      %dma_wait3A_374 = tpu.memref_squeeze %dma_wait3A_373 : memref<1x256xi32, #tpu.memory_space<vmem>> -> memref<256xi32, #tpu.memory_space<vmem>>
      %dma_wait3A_375 = tpu.memref_slice %arg2[%add3A_363] : memref<3276800xi32, #tpu.memory_space<hbm>> -> memref<256xi32, #tpu.memory_space<hbm>>
      tpu.wait_dma2 semaphore(%dma_wait3A_371 : memref<!tpu.dma_semaphore, #tpu.memory_space<semaphore_mem>>) src(%dma_wait3A_375 : memref<256xi32, #tpu.memory_space<hbm>>) dst(%dma_wait3A_374 : memref<256xi32, #tpu.memory_space<vmem>>)
      %dma_wait3A_376 = arith.constant 1 : i32
      %dma_wait3A_377 = arith.constant 1 : i32
      %dma_wait3A_378 = arith.constant 0 : i32
      %dma_wait3A_379 = tpu.memref_slice %arg9[%dma_wait3A_376, %dma_wait3A_378] : memref<2x256xf32, #tpu.memory_space<vmem>> -> memref<1x256xf32, #tpu.memory_space<vmem>>
      %dma_wait3A_380 = tpu.memref_squeeze %dma_wait3A_379 : memref<1x256xf32, #tpu.memory_space<vmem>> -> memref<256xf32, #tpu.memory_space<vmem>>
      %dma_wait3A_381 = tpu.memref_slice %arg3[%add3A_363] : memref<3276800xf32, #tpu.memory_space<hbm>> -> memref<256xf32, #tpu.memory_space<hbm>>
      %dma_wait3A_382 = tpu.memref_slice %arg12[%dma_wait3A_377] : memref<2x!tpu.dma_semaphore, #tpu.memory_space<semaphore_mem>> -> memref<1x!tpu.dma_semaphore, #tpu.memory_space<semaphore_mem>>
      %dma_wait3A_383 = tpu.memref_squeeze %dma_wait3A_382 : memref<1x!tpu.dma_semaphore, #tpu.memory_space<semaphore_mem>> -> memref<!tpu.dma_semaphore, #tpu.memory_space<semaphore_mem>>
      %dma_wait3A_384 = arith.constant 0 : i32
      %dma_wait3A_385 = tpu.memref_slice %arg9[%dma_wait3A_376, %dma_wait3A_384] : memref<2x256xf32, #tpu.memory_space<vmem>> -> memref<1x256xf32, #tpu.memory_space<vmem>>
      %dma_wait3A_386 = tpu.memref_squeeze %dma_wait3A_385 : memref<1x256xf32, #tpu.memory_space<vmem>> -> memref<256xf32, #tpu.memory_space<vmem>>
      %dma_wait3A_387 = tpu.memref_slice %arg3[%add3A_363] : memref<3276800xf32, #tpu.memory_space<hbm>> -> memref<256xf32, #tpu.memory_space<hbm>>
      tpu.wait_dma2 semaphore(%dma_wait3A_383 : memref<!tpu.dma_semaphore, #tpu.memory_space<semaphore_mem>>) src(%dma_wait3A_387 : memref<256xf32, #tpu.memory_space<hbm>>) dst(%dma_wait3A_386 : memref<256xf32, #tpu.memory_space<vmem>>)
      %dma_wait3A_388 = arith.constant 1 : i32
      %dma_wait3A_389 = arith.constant 1 : i32
      %dma_wait3A_390 = arith.constant 0 : i32
      %dma_wait3A_391 = tpu.memref_slice %arg10[%dma_wait3A_388, %dma_wait3A_390] : memref<2x256xf32, #tpu.memory_space<vmem>> -> memref<1x256xf32, #tpu.memory_space<vmem>>
      %dma_wait3A_392 = tpu.memref_squeeze %dma_wait3A_391 : memref<1x256xf32, #tpu.memory_space<vmem>> -> memref<256xf32, #tpu.memory_space<vmem>>
      %dma_wait3A_393 = tpu.memref_slice %arg4[%add3A_363] : memref<3276800xf32, #tpu.memory_space<hbm>> -> memref<256xf32, #tpu.memory_space<hbm>>
      %dma_wait3A_394 = tpu.memref_slice %arg12[%dma_wait3A_389] : memref<2x!tpu.dma_semaphore, #tpu.memory_space<semaphore_mem>> -> memref<1x!tpu.dma_semaphore, #tpu.memory_space<semaphore_mem>>
      %dma_wait3A_395 = tpu.memref_squeeze %dma_wait3A_394 : memref<1x!tpu.dma_semaphore, #tpu.memory_space<semaphore_mem>> -> memref<!tpu.dma_semaphore, #tpu.memory_space<semaphore_mem>>
      %dma_wait3A_396 = arith.constant 0 : i32
      %dma_wait3A_397 = tpu.memref_slice %arg10[%dma_wait3A_388, %dma_wait3A_396] : memref<2x256xf32, #tpu.memory_space<vmem>> -> memref<1x256xf32, #tpu.memory_space<vmem>>
      %dma_wait3A_398 = tpu.memref_squeeze %dma_wait3A_397 : memref<1x256xf32, #tpu.memory_space<vmem>> -> memref<256xf32, #tpu.memory_space<vmem>>
      %dma_wait3A_399 = tpu.memref_slice %arg4[%add3A_363] : memref<3276800xf32, #tpu.memory_space<hbm>> -> memref<256xf32, #tpu.memory_space<hbm>>
      tpu.wait_dma2 semaphore(%dma_wait3A_395 : memref<!tpu.dma_semaphore, #tpu.memory_space<semaphore_mem>>) src(%dma_wait3A_399 : memref<256xf32, #tpu.memory_space<hbm>>) dst(%dma_wait3A_398 : memref<256xf32, #tpu.memory_space<vmem>>)
      %ge3A_400 = arith.constant 2 : i32
      %ge3A_401 = arith.cmpi sge, %add3A_360, %ge3A_400 : i32
      %convert_element_type3A_402 = arith.extui %ge3A_401 : i1 to i32
      %cond3A_403 = arith.constant 0 : i32
      %cond3A_404 = arith.cmpi ne, %convert_element_type3A_402, %cond3A_403 : i32
      scf.if %cond3A_404 {
        %sub3A = arith.constant 2 : i32
        %sub3A_439 = arith.subi %add3A_360, %sub3A : i32
        %mul3A_440 = arith.constant 256 : i32
        %mul3A_441 = arith.muli %sub3A_439, %mul3A_440 : i32
        %add3A_442 = arith.addi %mul3A_2, %mul3A_441 : i32
        %dma_wait3A_443 = arith.constant 1 : i32
        %dma_wait3A_444 = arith.constant 1 : i32
        %dma_wait3A_445 = arith.constant 0 : i32
        %dma_wait3A_446 = arith.constant 0 : i32
        %dma_wait3A_447 = tpu.memref_slice %arg11[%dma_wait3A_443, %dma_wait3A_445, %dma_wait3A_446] : memref<2x256x128xf32, #tpu.memory_space<vmem>> -> memref<1x256x128xf32, #tpu.memory_space<vmem>>
        %dma_wait3A_448 = tpu.memref_squeeze %dma_wait3A_447 : memref<1x256x128xf32, #tpu.memory_space<vmem>> -> memref<256x128xf32, #tpu.memory_space<vmem>>
        %dma_wait3A_449 = arith.constant 0 : i32
        %dma_wait3A_450 = tpu.memref_slice %arg6[%add3A_442, %dma_wait3A_449] : memref<3276800x128xf32, #tpu.memory_space<hbm>> -> memref<256x128xf32, #tpu.memory_space<hbm>>
        %dma_wait3A_451 = tpu.memref_slice %arg13[%dma_wait3A_444] : memref<2x!tpu.dma_semaphore, #tpu.memory_space<semaphore_mem>> -> memref<1x!tpu.dma_semaphore, #tpu.memory_space<semaphore_mem>>
        %dma_wait3A_452 = tpu.memref_squeeze %dma_wait3A_451 : memref<1x!tpu.dma_semaphore, #tpu.memory_space<semaphore_mem>> -> memref<!tpu.dma_semaphore, #tpu.memory_space<semaphore_mem>>
        %dma_wait3A_453 = arith.constant 0 : i32
        %dma_wait3A_454 = tpu.memref_slice %arg6[%add3A_442, %dma_wait3A_453] : memref<3276800x128xf32, #tpu.memory_space<hbm>> -> memref<256x128xf32, #tpu.memory_space<hbm>>
        %dma_wait3A_455 = arith.constant 0 : i32
        %dma_wait3A_456 = arith.constant 0 : i32
        %dma_wait3A_457 = tpu.memref_slice %arg11[%dma_wait3A_443, %dma_wait3A_455, %dma_wait3A_456] : memref<2x256x128xf32, #tpu.memory_space<vmem>> -> memref<1x256x128xf32, #tpu.memory_space<vmem>>
        %dma_wait3A_458 = tpu.memref_squeeze %dma_wait3A_457 : memref<1x256x128xf32, #tpu.memory_space<vmem>> -> memref<256x128xf32, #tpu.memory_space<vmem>>
        tpu.wait_dma2 semaphore(%dma_wait3A_452 : memref<!tpu.dma_semaphore, #tpu.memory_space<semaphore_mem>>) src(%dma_wait3A_458 : memref<256x128xf32, #tpu.memory_space<vmem>>) dst(%dma_wait3A_454 : memref<256x128xf32, #tpu.memory_space<hbm>>)
      } else {
      }
      %scan3A_405 = arith.constant 0 : i32
      %scan3A_406 = arith.constant 0 : i32
      %scan3A_407 = arith.constant 16 : i32
      %scan3A_408 = arith.addi %scan3A_406, %scan3A_407 : i32
      %scan3A_409 = arith.constant 2 : i32
      %scan3A_410 = scf.for %scan3A_439 = %scan3A_406 to %scan3A_408 step %scan3A_409 iter_args(%scan3A_440 = %scan3A_405) -> (i32)  : i32 {
        %mul3A_441 = arith.constant 16 : i32
        %mul3A_442 = arith.muli %scan3A_439, %mul3A_441 : i32
        %get3A_443 = arith.constant 1 : i32
        %get3A_444 = arith.index_cast %get3A_443 : i32 to index
        %get3A_445 = arith.index_cast %mul3A_442 : i32 to index
        %get3A_446 = tpu.vector_load %arg8[%get3A_444, %get3A_445] {strides = array<i32>} : memref<2x256xi32, #tpu.memory_space<vmem>>, vector<1x16xi32>,
        %get3A_447 = vector.shape_cast %get3A_446 : vector<1x16xi32> to vector<16xi32>
        %convert_element_type3A_448 = arith.sitofp %get3A_447 : vector<16xi32> to vector<16xf32>
        %get3A_449 = arith.constant 1 : i32
        %get3A_450 = arith.index_cast %get3A_449 : i32 to index
        %get3A_451 = arith.index_cast %mul3A_442 : i32 to index
        %get3A_452 = tpu.vector_load %arg9[%get3A_450, %get3A_451] {strides = array<i32>} : memref<2x256xf32, #tpu.memory_space<vmem>>, vector<1x16xf32>,
        %get3A_453 = vector.shape_cast %get3A_452 : vector<1x16xf32> to vector<16xf32>
        %mul3A_454 = arith.constant 3.33333332E-6 : f32
        %mul3A_455 = vector.broadcast %mul3A_454 : f32 to vector<16xf32>
        %mul3A_456 = arith.mulf %get3A_453, %mul3A_455 : vector<16xf32>
        %jit3A = arith.constant 0.000000e+00 : f32
        %jit3A_457 = arith.constant 1.000000e+00 : f32
        %max3A = vector.broadcast %jit3A : f32 to vector<16xf32>
        %max3A_458 = arith.maximumf %max3A, %mul3A_456 : vector<16xf32>
        %min3A = vector.broadcast %jit3A_457 : f32 to vector<16xf32>
        %min3A_459 = arith.minimumf %min3A, %max3A_458 : vector<16xf32>
        %get3A_460 = arith.constant 1 : i32
        %get3A_461 = arith.index_cast %get3A_460 : i32 to index
        %get3A_462 = arith.index_cast %mul3A_442 : i32 to index
        %get3A_463 = tpu.vector_load %arg10[%get3A_461, %get3A_462] {strides = array<i32>} : memref<2x256xf32, #tpu.memory_space<vmem>>, vector<1x16xf32>,
        %get3A_464 = vector.shape_cast %get3A_463 : vector<1x16xf32> to vector<16xf32>
        %mul3A_465 = arith.constant 1.15740741E-5 : f32
        %mul3A_466 = vector.broadcast %mul3A_465 : f32 to vector<16xf32>
        %mul3A_467 = arith.mulf %get3A_464, %mul3A_466 : vector<16xf32>
        %jit3A_468 = arith.constant 0.000000e+00 : f32
        %jit3A_469 = arith.constant 1.000000e+00 : f32
        %max3A_470 = vector.broadcast %jit3A_468 : f32 to vector<16xf32>
        %max3A_471 = arith.maximumf %max3A_470, %mul3A_467 : vector<16xf32>
        %min3A_472 = vector.broadcast %jit3A_469 : f32 to vector<16xf32>
        %min3A_473 = arith.minimumf %min3A_472, %max3A_471 : vector<16xf32>
        %scan3A_474 = arith.constant 0 : i32
        %scan3A_475 = arith.constant 0 : i32
        %scan3A_476 = arith.constant 16 : i32
        %scan3A_477 = arith.addi %scan3A_475, %scan3A_476 : i32
        %scan3A_478 = arith.constant 1 : i32
        %scan3A_479 = scf.for %scan3A_528 = %scan3A_475 to %scan3A_477 step %scan3A_478 iter_args(%scan3A_529 = %scan3A_474) -> (i32)  : i32 {
          %broadcast_in_dim3A = vector.broadcast %scan3A_528 : i32 to vector<16xi32>
          %broadcast_in_dim3A_530 = vector.shape_cast %broadcast_in_dim3A : vector<16xi32> to vector<16x1xi32>
          %gather3A = vector.shape_cast %broadcast_in_dim3A_530 : vector<16x1xi32> to vector<16xi32>
          %gather3A_531 = tpu.dynamic_gather %convert_element_type3A_448[%gather3A] in [0] : vector<16xf32>, vector<16xi32> -> vector<16xf32>
          %broadcast_in_dim3A_532 = vector.shape_cast %broadcast_in_dim3A : vector<16xi32> to vector<16x1xi32>
          %gather3A_533 = vector.shape_cast %broadcast_in_dim3A_532 : vector<16x1xi32> to vector<16xi32>
          %gather3A_534 = tpu.dynamic_gather %min3A_459[%gather3A_533] in [0] : vector<16xf32>, vector<16xi32> -> vector<16xf32>
          %broadcast_in_dim3A_535 = vector.shape_cast %broadcast_in_dim3A : vector<16xi32> to vector<16x1xi32>
          %gather3A_536 = vector.shape_cast %broadcast_in_dim3A_535 : vector<16x1xi32> to vector<16xi32>
          %gather3A_537 = tpu.dynamic_gather %min3A_473[%gather3A_536] in [0] : vector<16xf32>, vector<16xi32> -> vector<16xf32>
          %mul3A_538 = arith.constant 16 : i32
          %mul3A_539 = arith.muli %scan3A_439, %mul3A_538 : i32
          %add3A_540 = arith.addi %mul3A_539, %scan3A_528 : i32
          %mul3A_541 = arith.mulf %gather3A_531, %get3A_46 : vector<16xf32>
          %add3A_542 = arith.addf %get3A_6, %mul3A_541 : vector<16xf32>
          %mul3A_543 = arith.mulf %gather3A_534, %get3A_86 : vector<16xf32>
          %add3A_544 = arith.addf %add3A_542, %mul3A_543 : vector<16xf32>
          %mul3A_545 = arith.mulf %gather3A_537, %get3A_126 : vector<16xf32>
          %add3A_546 = arith.addf %add3A_544, %mul3A_545 : vector<16xf32>
          %swap3A = arith.constant 1 : i32
          %swap3A_547 = arith.index_cast %swap3A : i32 to index
          %swap3A_548 = arith.index_cast %add3A_540 : i32 to index
          %swap3A_549 = arith.constant 0 : index
          %swap3A_550 = tpu.vector_load %arg11[%swap3A_547, %swap3A_548, %swap3A_549] {strides = array<i32>} : memref<2x256x128xf32, #tpu.memory_space<vmem>>, vector<1x1x16xf32>,
          %swap3A_551 = vector.shape_cast %swap3A_550 : vector<1x1x16xf32> to vector<16xf32>
          %swap3A_552 = vector.shape_cast %add3A_546 : vector<16xf32> to vector<1x1x16xf32>
          tpu.vector_store %arg11[%swap3A_547, %swap3A_548, %swap3A_549], %swap3A_552 {strides = array<i32>} : memref<2x256x128xf32, #tpu.memory_space<vmem>>, vector<1x1x16xf32>,
          %mul3A_553 = arith.mulf %gather3A_531, %get3A_51 : vector<16xf32>
          %add3A_554 = arith.addf %get3A_11, %mul3A_553 : vector<16xf32>
          %mul3A_555 = arith.mulf %gather3A_534, %get3A_91 : vector<16xf32>
          %add3A_556 = arith.addf %add3A_554, %mul3A_555 : vector<16xf32>
          %mul3A_557 = arith.mulf %gather3A_537, %get3A_131 : vector<16xf32>
          %add3A_558 = arith.addf %add3A_556, %mul3A_557 : vector<16xf32>
          %swap3A_559 = arith.constant 1 : i32
          %swap3A_560 = arith.index_cast %swap3A_559 : i32 to index
          %swap3A_561 = arith.index_cast %add3A_540 : i32 to index
          %swap3A_562 = arith.constant 16 : index
          %swap3A_563 = tpu.vector_load %arg11[%swap3A_560, %swap3A_561, %swap3A_562] {strides = array<i32>} : memref<2x256x128xf32, #tpu.memory_space<vmem>>, vector<1x1x16xf32>,
          %swap3A_564 = vector.shape_cast %swap3A_563 : vector<1x1x16xf32> to vector<16xf32>
          %swap3A_565 = vector.shape_cast %add3A_558 : vector<16xf32> to vector<1x1x16xf32>
          tpu.vector_store %arg11[%swap3A_560, %swap3A_561, %swap3A_562], %swap3A_565 {strides = array<i32>} : memref<2x256x128xf32, #tpu.memory_space<vmem>>, vector<1x1x16xf32>,
          %mul3A_566 = arith.mulf %gather3A_531, %get3A_56 : vector<16xf32>
          %add3A_567 = arith.addf %get3A_16, %mul3A_566 : vector<16xf32>
          %mul3A_568 = arith.mulf %gather3A_534, %get3A_96 : vector<16xf32>
          %add3A_569 = arith.addf %add3A_567, %mul3A_568 : vector<16xf32>
          %mul3A_570 = arith.mulf %gather3A_537, %get3A_136 : vector<16xf32>
          %add3A_571 = arith.addf %add3A_569, %mul3A_570 : vector<16xf32>
          %swap3A_572 = arith.constant 1 : i32
          %swap3A_573 = arith.index_cast %swap3A_572 : i32 to index
          %swap3A_574 = arith.index_cast %add3A_540 : i32 to index
          %swap3A_575 = arith.constant 32 : index
          %swap3A_576 = tpu.vector_load %arg11[%swap3A_573, %swap3A_574, %swap3A_575] {strides = array<i32>} : memref<2x256x128xf32, #tpu.memory_space<vmem>>, vector<1x1x16xf32>,
          %swap3A_577 = vector.shape_cast %swap3A_576 : vector<1x1x16xf32> to vector<16xf32>
          %swap3A_578 = vector.shape_cast %add3A_571 : vector<16xf32> to vector<1x1x16xf32>
          tpu.vector_store %arg11[%swap3A_573, %swap3A_574, %swap3A_575], %swap3A_578 {strides = array<i32>} : memref<2x256x128xf32, #tpu.memory_space<vmem>>, vector<1x1x16xf32>,
          %mul3A_579 = arith.mulf %gather3A_531, %get3A_61 : vector<16xf32>
          %add3A_580 = arith.addf %get3A_21, %mul3A_579 : vector<16xf32>
          %mul3A_581 = arith.mulf %gather3A_534, %get3A_101 : vector<16xf32>
          %add3A_582 = arith.addf %add3A_580, %mul3A_581 : vector<16xf32>
          %mul3A_583 = arith.mulf %gather3A_537, %get3A_141 : vector<16xf32>
          %add3A_584 = arith.addf %add3A_582, %mul3A_583 : vector<16xf32>
          %swap3A_585 = arith.constant 1 : i32
          %swap3A_586 = arith.index_cast %swap3A_585 : i32 to index
          %swap3A_587 = arith.index_cast %add3A_540 : i32 to index
          %swap3A_588 = arith.constant 48 : index
          %swap3A_589 = tpu.vector_load %arg11[%swap3A_586, %swap3A_587, %swap3A_588] {strides = array<i32>} : memref<2x256x128xf32, #tpu.memory_space<vmem>>, vector<1x1x16xf32>,
          %swap3A_590 = vector.shape_cast %swap3A_589 : vector<1x1x16xf32> to vector<16xf32>
          %swap3A_591 = vector.shape_cast %add3A_584 : vector<16xf32> to vector<1x1x16xf32>
          tpu.vector_store %arg11[%swap3A_586, %swap3A_587, %swap3A_588], %swap3A_591 {strides = array<i32>} : memref<2x256x128xf32, #tpu.memory_space<vmem>>, vector<1x1x16xf32>,
          %mul3A_592 = arith.mulf %gather3A_531, %get3A_66 : vector<16xf32>
          %add3A_593 = arith.addf %get3A_26, %mul3A_592 : vector<16xf32>
          %mul3A_594 = arith.mulf %gather3A_534, %get3A_106 : vector<16xf32>
          %add3A_595 = arith.addf %add3A_593, %mul3A_594 : vector<16xf32>
          %mul3A_596 = arith.mulf %gather3A_537, %get3A_146 : vector<16xf32>
          %add3A_597 = arith.addf %add3A_595, %mul3A_596 : vector<16xf32>
          %swap3A_598 = arith.constant 1 : i32
          %swap3A_599 = arith.index_cast %swap3A_598 : i32 to index
          %swap3A_600 = arith.index_cast %add3A_540 : i32 to index
          %swap3A_601 = arith.constant 64 : index
          %swap3A_602 = tpu.vector_load %arg11[%swap3A_599, %swap3A_600, %swap3A_601] {strides = array<i32>} : memref<2x256x128xf32, #tpu.memory_space<vmem>>, vector<1x1x16xf32>,
          %swap3A_603 = vector.shape_cast %swap3A_602 : vector<1x1x16xf32> to vector<16xf32>
          %swap3A_604 = vector.shape_cast %add3A_597 : vector<16xf32> to vector<1x1x16xf32>
          tpu.vector_store %arg11[%swap3A_599, %swap3A_600, %swap3A_601], %swap3A_604 {strides = array<i32>} : memref<2x256x128xf32, #tpu.memory_space<vmem>>, vector<1x1x16xf32>,
          %mul3A_605 = arith.mulf %gather3A_531, %get3A_71 : vector<16xf32>
          %add3A_606 = arith.addf %get3A_31, %mul3A_605 : vector<16xf32>
          %mul3A_607 = arith.mulf %gather3A_534, %get3A_111 : vector<16xf32>
          %add3A_608 = arith.addf %add3A_606, %mul3A_607 : vector<16xf32>
          %mul3A_609 = arith.mulf %gather3A_537, %get3A_151 : vector<16xf32>
          %add3A_610 = arith.addf %add3A_608, %mul3A_609 : vector<16xf32>
          %swap3A_611 = arith.constant 1 : i32
          %swap3A_612 = arith.index_cast %swap3A_611 : i32 to index
          %swap3A_613 = arith.index_cast %add3A_540 : i32 to index
          %swap3A_614 = arith.constant 80 : index
          %swap3A_615 = tpu.vector_load %arg11[%swap3A_612, %swap3A_613, %swap3A_614] {strides = array<i32>} : memref<2x256x128xf32, #tpu.memory_space<vmem>>, vector<1x1x16xf32>,
          %swap3A_616 = vector.shape_cast %swap3A_615 : vector<1x1x16xf32> to vector<16xf32>
          %swap3A_617 = vector.shape_cast %add3A_610 : vector<16xf32> to vector<1x1x16xf32>
          tpu.vector_store %arg11[%swap3A_612, %swap3A_613, %swap3A_614], %swap3A_617 {strides = array<i32>} : memref<2x256x128xf32, #tpu.memory_space<vmem>>, vector<1x1x16xf32>,
          %mul3A_618 = arith.mulf %gather3A_531, %get3A_76 : vector<16xf32>
          %add3A_619 = arith.addf %get3A_36, %mul3A_618 : vector<16xf32>
          %mul3A_620 = arith.mulf %gather3A_534, %get3A_116 : vector<16xf32>
          %add3A_621 = arith.addf %add3A_619, %mul3A_620 : vector<16xf32>
          %mul3A_622 = arith.mulf %gather3A_537, %get3A_156 : vector<16xf32>
          %add3A_623 = arith.addf %add3A_621, %mul3A_622 : vector<16xf32>
          %swap3A_624 = arith.constant 1 : i32
          %swap3A_625 = arith.index_cast %swap3A_624 : i32 to index
          %swap3A_626 = arith.index_cast %add3A_540 : i32 to index
          %swap3A_627 = arith.constant 96 : index
          %swap3A_628 = tpu.vector_load %arg11[%swap3A_625, %swap3A_626, %swap3A_627] {strides = array<i32>} : memref<2x256x128xf32, #tpu.memory_space<vmem>>, vector<1x1x16xf32>,
          %swap3A_629 = vector.shape_cast %swap3A_628 : vector<1x1x16xf32> to vector<16xf32>
          %swap3A_630 = vector.shape_cast %add3A_623 : vector<16xf32> to vector<1x1x16xf32>
          tpu.vector_store %arg11[%swap3A_625, %swap3A_626, %swap3A_627], %swap3A_630 {strides = array<i32>} : memref<2x256x128xf32, #tpu.memory_space<vmem>>, vector<1x1x16xf32>,
          %mul3A_631 = arith.mulf %gather3A_531, %get3A_81 : vector<16xf32>
          %add3A_632 = arith.addf %get3A_41, %mul3A_631 : vector<16xf32>
          %mul3A_633 = arith.mulf %gather3A_534, %get3A_121 : vector<16xf32>
          %add3A_634 = arith.addf %add3A_632, %mul3A_633 : vector<16xf32>
          %mul3A_635 = arith.mulf %gather3A_537, %get3A_161 : vector<16xf32>
          %add3A_636 = arith.addf %add3A_634, %mul3A_635 : vector<16xf32>
          %swap3A_637 = arith.constant 1 : i32
          %swap3A_638 = arith.index_cast %swap3A_637 : i32 to index
          %swap3A_639 = arith.index_cast %add3A_540 : i32 to index
          %swap3A_640 = arith.constant 112 : index
          %swap3A_641 = tpu.vector_load %arg11[%swap3A_638, %swap3A_639, %swap3A_640] {strides = array<i32>} : memref<2x256x128xf32, #tpu.memory_space<vmem>>, vector<1x1x16xf32>,
          %swap3A_642 = vector.shape_cast %swap3A_641 : vector<1x1x16xf32> to vector<16xf32>
          %swap3A_643 = vector.shape_cast %add3A_636 : vector<16xf32> to vector<1x1x16xf32>
          tpu.vector_store %arg11[%swap3A_638, %swap3A_639, %swap3A_640], %swap3A_643 {strides = array<i32>} : memref<2x256x128xf32, #tpu.memory_space<vmem>>, vector<1x1x16xf32>,
          %scan3A_644 = arith.constant 0 : i32
          scf.yield %scan3A_644 : i32
        }
        %scan3A_480 = arith.constant 16 : i32
        %scan3A_481 = arith.constant 0 : i32
        %scan3A_482 = arith.constant 1 : i32
        %scan3A_483 = arith.addi %scan3A_439, %scan3A_482 : i32
        %mul3A_484 = arith.constant 16 : i32
        %mul3A_485 = arith.muli %scan3A_483, %mul3A_484 : i32
        %get3A_486 = arith.constant 1 : i32
        %get3A_487 = arith.index_cast %get3A_486 : i32 to index
        %get3A_488 = arith.index_cast %mul3A_485 : i32 to index
        %get3A_489 = tpu.vector_load %arg8[%get3A_487, %get3A_488] {strides = array<i32>} : memref<2x256xi32, #tpu.memory_space<vmem>>, vector<1x16xi32>,
        %get3A_490 = vector.shape_cast %get3A_489 : vector<1x16xi32> to vector<16xi32>
        %convert_element_type3A_491 = arith.sitofp %get3A_490 : vector<16xi32> to vector<16xf32>
        %get3A_492 = arith.constant 1 : i32
        %get3A_493 = arith.index_cast %get3A_492 : i32 to index
        %get3A_494 = arith.index_cast %mul3A_485 : i32 to index
        %get3A_495 = tpu.vector_load %arg9[%get3A_493, %get3A_494] {strides = array<i32>} : memref<2x256xf32, #tpu.memory_space<vmem>>, vector<1x16xf32>,
        %get3A_496 = vector.shape_cast %get3A_495 : vector<1x16xf32> to vector<16xf32>
        %mul3A_497 = arith.constant 3.33333332E-6 : f32
        %mul3A_498 = vector.broadcast %mul3A_497 : f32 to vector<16xf32>
        %mul3A_499 = arith.mulf %get3A_496, %mul3A_498 : vector<16xf32>
        %jit3A_500 = arith.constant 0.000000e+00 : f32
        %jit3A_501 = arith.constant 1.000000e+00 : f32
        %max3A_502 = vector.broadcast %jit3A_500 : f32 to vector<16xf32>
        %max3A_503 = arith.maximumf %max3A_502, %mul3A_499 : vector<16xf32>
        %min3A_504 = vector.broadcast %jit3A_501 : f32 to vector<16xf32>
        %min3A_505 = arith.minimumf %min3A_504, %max3A_503 : vector<16xf32>
        %get3A_506 = arith.constant 1 : i32
        %get3A_507 = arith.index_cast %get3A_506 : i32 to index
        %get3A_508 = arith.index_cast %mul3A_485 : i32 to index
        %get3A_509 = tpu.vector_load %arg10[%get3A_507, %get3A_508] {strides = array<i32>} : memref<2x256xf32, #tpu.memory_space<vmem>>, vector<1x16xf32>,
        %get3A_510 = vector.shape_cast %get3A_509 : vector<1x16xf32> to vector<16xf32>
        %mul3A_511 = arith.constant 1.15740741E-5 : f32
        %mul3A_512 = vector.broadcast %mul3A_511 : f32 to vector<16xf32>
        %mul3A_513 = arith.mulf %get3A_510, %mul3A_512 : vector<16xf32>
        %jit3A_514 = arith.constant 0.000000e+00 : f32
        %jit3A_515 = arith.constant 1.000000e+00 : f32
        %max3A_516 = vector.broadcast %jit3A_514 : f32 to vector<16xf32>
        %max3A_517 = arith.maximumf %max3A_516, %mul3A_513 : vector<16xf32>
        %min3A_518 = vector.broadcast %jit3A_515 : f32 to vector<16xf32>
        %min3A_519 = arith.minimumf %min3A_518, %max3A_517 : vector<16xf32>
        %scan3A_520 = arith.constant 0 : i32
        %scan3A_521 = arith.constant 0 : i32
        %scan3A_522 = arith.constant 16 : i32
        %scan3A_523 = arith.addi %scan3A_521, %scan3A_522 : i32
        %scan3A_524 = arith.constant 1 : i32
        %scan3A_525 = scf.for %scan3A_528 = %scan3A_521 to %scan3A_523 step %scan3A_524 iter_args(%scan3A_529 = %scan3A_520) -> (i32)  : i32 {
          %broadcast_in_dim3A = vector.broadcast %scan3A_528 : i32 to vector<16xi32>
          %broadcast_in_dim3A_530 = vector.shape_cast %broadcast_in_dim3A : vector<16xi32> to vector<16x1xi32>
          %gather3A = vector.shape_cast %broadcast_in_dim3A_530 : vector<16x1xi32> to vector<16xi32>
          %gather3A_531 = tpu.dynamic_gather %convert_element_type3A_491[%gather3A] in [0] : vector<16xf32>, vector<16xi32> -> vector<16xf32>
          %broadcast_in_dim3A_532 = vector.shape_cast %broadcast_in_dim3A : vector<16xi32> to vector<16x1xi32>
          %gather3A_533 = vector.shape_cast %broadcast_in_dim3A_532 : vector<16x1xi32> to vector<16xi32>
          %gather3A_534 = tpu.dynamic_gather %min3A_505[%gather3A_533] in [0] : vector<16xf32>, vector<16xi32> -> vector<16xf32>
          %broadcast_in_dim3A_535 = vector.shape_cast %broadcast_in_dim3A : vector<16xi32> to vector<16x1xi32>
          %gather3A_536 = vector.shape_cast %broadcast_in_dim3A_535 : vector<16x1xi32> to vector<16xi32>
          %gather3A_537 = tpu.dynamic_gather %min3A_519[%gather3A_536] in [0] : vector<16xf32>, vector<16xi32> -> vector<16xf32>
          %mul3A_538 = arith.constant 16 : i32
          %mul3A_539 = arith.muli %scan3A_483, %mul3A_538 : i32
          %add3A_540 = arith.addi %mul3A_539, %scan3A_528 : i32
          %mul3A_541 = arith.mulf %gather3A_531, %get3A_46 : vector<16xf32>
          %add3A_542 = arith.addf %get3A_6, %mul3A_541 : vector<16xf32>
          %mul3A_543 = arith.mulf %gather3A_534, %get3A_86 : vector<16xf32>
          %add3A_544 = arith.addf %add3A_542, %mul3A_543 : vector<16xf32>
          %mul3A_545 = arith.mulf %gather3A_537, %get3A_126 : vector<16xf32>
          %add3A_546 = arith.addf %add3A_544, %mul3A_545 : vector<16xf32>
          %swap3A = arith.constant 1 : i32
          %swap3A_547 = arith.index_cast %swap3A : i32 to index
          %swap3A_548 = arith.index_cast %add3A_540 : i32 to index
          %swap3A_549 = arith.constant 0 : index
          %swap3A_550 = tpu.vector_load %arg11[%swap3A_547, %swap3A_548, %swap3A_549] {strides = array<i32>} : memref<2x256x128xf32, #tpu.memory_space<vmem>>, vector<1x1x16xf32>,
          %swap3A_551 = vector.shape_cast %swap3A_550 : vector<1x1x16xf32> to vector<16xf32>
          %swap3A_552 = vector.shape_cast %add3A_546 : vector<16xf32> to vector<1x1x16xf32>
          tpu.vector_store %arg11[%swap3A_547, %swap3A_548, %swap3A_549], %swap3A_552 {strides = array<i32>} : memref<2x256x128xf32, #tpu.memory_space<vmem>>, vector<1x1x16xf32>,
          %mul3A_553 = arith.mulf %gather3A_531, %get3A_51 : vector<16xf32>
          %add3A_554 = arith.addf %get3A_11, %mul3A_553 : vector<16xf32>
          %mul3A_555 = arith.mulf %gather3A_534, %get3A_91 : vector<16xf32>
          %add3A_556 = arith.addf %add3A_554, %mul3A_555 : vector<16xf32>
          %mul3A_557 = arith.mulf %gather3A_537, %get3A_131 : vector<16xf32>
          %add3A_558 = arith.addf %add3A_556, %mul3A_557 : vector<16xf32>
          %swap3A_559 = arith.constant 1 : i32
          %swap3A_560 = arith.index_cast %swap3A_559 : i32 to index
          %swap3A_561 = arith.index_cast %add3A_540 : i32 to index
          %swap3A_562 = arith.constant 16 : index
          %swap3A_563 = tpu.vector_load %arg11[%swap3A_560, %swap3A_561, %swap3A_562] {strides = array<i32>} : memref<2x256x128xf32, #tpu.memory_space<vmem>>, vector<1x1x16xf32>,
          %swap3A_564 = vector.shape_cast %swap3A_563 : vector<1x1x16xf32> to vector<16xf32>
          %swap3A_565 = vector.shape_cast %add3A_558 : vector<16xf32> to vector<1x1x16xf32>
          tpu.vector_store %arg11[%swap3A_560, %swap3A_561, %swap3A_562], %swap3A_565 {strides = array<i32>} : memref<2x256x128xf32, #tpu.memory_space<vmem>>, vector<1x1x16xf32>,
          %mul3A_566 = arith.mulf %gather3A_531, %get3A_56 : vector<16xf32>
          %add3A_567 = arith.addf %get3A_16, %mul3A_566 : vector<16xf32>
          %mul3A_568 = arith.mulf %gather3A_534, %get3A_96 : vector<16xf32>
          %add3A_569 = arith.addf %add3A_567, %mul3A_568 : vector<16xf32>
          %mul3A_570 = arith.mulf %gather3A_537, %get3A_136 : vector<16xf32>
          %add3A_571 = arith.addf %add3A_569, %mul3A_570 : vector<16xf32>
          %swap3A_572 = arith.constant 1 : i32
          %swap3A_573 = arith.index_cast %swap3A_572 : i32 to index
          %swap3A_574 = arith.index_cast %add3A_540 : i32 to index
          %swap3A_575 = arith.constant 32 : index
          %swap3A_576 = tpu.vector_load %arg11[%swap3A_573, %swap3A_574, %swap3A_575] {strides = array<i32>} : memref<2x256x128xf32, #tpu.memory_space<vmem>>, vector<1x1x16xf32>,
          %swap3A_577 = vector.shape_cast %swap3A_576 : vector<1x1x16xf32> to vector<16xf32>
          %swap3A_578 = vector.shape_cast %add3A_571 : vector<16xf32> to vector<1x1x16xf32>
          tpu.vector_store %arg11[%swap3A_573, %swap3A_574, %swap3A_575], %swap3A_578 {strides = array<i32>} : memref<2x256x128xf32, #tpu.memory_space<vmem>>, vector<1x1x16xf32>,
          %mul3A_579 = arith.mulf %gather3A_531, %get3A_61 : vector<16xf32>
          %add3A_580 = arith.addf %get3A_21, %mul3A_579 : vector<16xf32>
          %mul3A_581 = arith.mulf %gather3A_534, %get3A_101 : vector<16xf32>
          %add3A_582 = arith.addf %add3A_580, %mul3A_581 : vector<16xf32>
          %mul3A_583 = arith.mulf %gather3A_537, %get3A_141 : vector<16xf32>
          %add3A_584 = arith.addf %add3A_582, %mul3A_583 : vector<16xf32>
          %swap3A_585 = arith.constant 1 : i32
          %swap3A_586 = arith.index_cast %swap3A_585 : i32 to index
          %swap3A_587 = arith.index_cast %add3A_540 : i32 to index
          %swap3A_588 = arith.constant 48 : index
          %swap3A_589 = tpu.vector_load %arg11[%swap3A_586, %swap3A_587, %swap3A_588] {strides = array<i32>} : memref<2x256x128xf32, #tpu.memory_space<vmem>>, vector<1x1x16xf32>,
          %swap3A_590 = vector.shape_cast %swap3A_589 : vector<1x1x16xf32> to vector<16xf32>
          %swap3A_591 = vector.shape_cast %add3A_584 : vector<16xf32> to vector<1x1x16xf32>
          tpu.vector_store %arg11[%swap3A_586, %swap3A_587, %swap3A_588], %swap3A_591 {strides = array<i32>} : memref<2x256x128xf32, #tpu.memory_space<vmem>>, vector<1x1x16xf32>,
          %mul3A_592 = arith.mulf %gather3A_531, %get3A_66 : vector<16xf32>
          %add3A_593 = arith.addf %get3A_26, %mul3A_592 : vector<16xf32>
          %mul3A_594 = arith.mulf %gather3A_534, %get3A_106 : vector<16xf32>
          %add3A_595 = arith.addf %add3A_593, %mul3A_594 : vector<16xf32>
          %mul3A_596 = arith.mulf %gather3A_537, %get3A_146 : vector<16xf32>
          %add3A_597 = arith.addf %add3A_595, %mul3A_596 : vector<16xf32>
          %swap3A_598 = arith.constant 1 : i32
          %swap3A_599 = arith.index_cast %swap3A_598 : i32 to index
          %swap3A_600 = arith.index_cast %add3A_540 : i32 to index
          %swap3A_601 = arith.constant 64 : index
          %swap3A_602 = tpu.vector_load %arg11[%swap3A_599, %swap3A_600, %swap3A_601] {strides = array<i32>} : memref<2x256x128xf32, #tpu.memory_space<vmem>>, vector<1x1x16xf32>,
          %swap3A_603 = vector.shape_cast %swap3A_602 : vector<1x1x16xf32> to vector<16xf32>
          %swap3A_604 = vector.shape_cast %add3A_597 : vector<16xf32> to vector<1x1x16xf32>
          tpu.vector_store %arg11[%swap3A_599, %swap3A_600, %swap3A_601], %swap3A_604 {strides = array<i32>} : memref<2x256x128xf32, #tpu.memory_space<vmem>>, vector<1x1x16xf32>,
          %mul3A_605 = arith.mulf %gather3A_531, %get3A_71 : vector<16xf32>
          %add3A_606 = arith.addf %get3A_31, %mul3A_605 : vector<16xf32>
          %mul3A_607 = arith.mulf %gather3A_534, %get3A_111 : vector<16xf32>
          %add3A_608 = arith.addf %add3A_606, %mul3A_607 : vector<16xf32>
          %mul3A_609 = arith.mulf %gather3A_537, %get3A_151 : vector<16xf32>
          %add3A_610 = arith.addf %add3A_608, %mul3A_609 : vector<16xf32>
          %swap3A_611 = arith.constant 1 : i32
          %swap3A_612 = arith.index_cast %swap3A_611 : i32 to index
          %swap3A_613 = arith.index_cast %add3A_540 : i32 to index
          %swap3A_614 = arith.constant 80 : index
          %swap3A_615 = tpu.vector_load %arg11[%swap3A_612, %swap3A_613, %swap3A_614] {strides = array<i32>} : memref<2x256x128xf32, #tpu.memory_space<vmem>>, vector<1x1x16xf32>,
          %swap3A_616 = vector.shape_cast %swap3A_615 : vector<1x1x16xf32> to vector<16xf32>
          %swap3A_617 = vector.shape_cast %add3A_610 : vector<16xf32> to vector<1x1x16xf32>
          tpu.vector_store %arg11[%swap3A_612, %swap3A_613, %swap3A_614], %swap3A_617 {strides = array<i32>} : memref<2x256x128xf32, #tpu.memory_space<vmem>>, vector<1x1x16xf32>,
          %mul3A_618 = arith.mulf %gather3A_531, %get3A_76 : vector<16xf32>
          %add3A_619 = arith.addf %get3A_36, %mul3A_618 : vector<16xf32>
          %mul3A_620 = arith.mulf %gather3A_534, %get3A_116 : vector<16xf32>
          %add3A_621 = arith.addf %add3A_619, %mul3A_620 : vector<16xf32>
          %mul3A_622 = arith.mulf %gather3A_537, %get3A_156 : vector<16xf32>
          %add3A_623 = arith.addf %add3A_621, %mul3A_622 : vector<16xf32>
          %swap3A_624 = arith.constant 1 : i32
          %swap3A_625 = arith.index_cast %swap3A_624 : i32 to index
          %swap3A_626 = arith.index_cast %add3A_540 : i32 to index
          %swap3A_627 = arith.constant 96 : index
          %swap3A_628 = tpu.vector_load %arg11[%swap3A_625, %swap3A_626, %swap3A_627] {strides = array<i32>} : memref<2x256x128xf32, #tpu.memory_space<vmem>>, vector<1x1x16xf32>,
          %swap3A_629 = vector.shape_cast %swap3A_628 : vector<1x1x16xf32> to vector<16xf32>
          %swap3A_630 = vector.shape_cast %add3A_623 : vector<16xf32> to vector<1x1x16xf32>
          tpu.vector_store %arg11[%swap3A_625, %swap3A_626, %swap3A_627], %swap3A_630 {strides = array<i32>} : memref<2x256x128xf32, #tpu.memory_space<vmem>>, vector<1x1x16xf32>,
          %mul3A_631 = arith.mulf %gather3A_531, %get3A_81 : vector<16xf32>
          %add3A_632 = arith.addf %get3A_41, %mul3A_631 : vector<16xf32>
          %mul3A_633 = arith.mulf %gather3A_534, %get3A_121 : vector<16xf32>
          %add3A_634 = arith.addf %add3A_632, %mul3A_633 : vector<16xf32>
          %mul3A_635 = arith.mulf %gather3A_537, %get3A_161 : vector<16xf32>
          %add3A_636 = arith.addf %add3A_634, %mul3A_635 : vector<16xf32>
          %swap3A_637 = arith.constant 1 : i32
          %swap3A_638 = arith.index_cast %swap3A_637 : i32 to index
          %swap3A_639 = arith.index_cast %add3A_540 : i32 to index
          %swap3A_640 = arith.constant 112 : index
          %swap3A_641 = tpu.vector_load %arg11[%swap3A_638, %swap3A_639, %swap3A_640] {strides = array<i32>} : memref<2x256x128xf32, #tpu.memory_space<vmem>>, vector<1x1x16xf32>,
          %swap3A_642 = vector.shape_cast %swap3A_641 : vector<1x1x16xf32> to vector<16xf32>
          %swap3A_643 = vector.shape_cast %add3A_636 : vector<16xf32> to vector<1x1x16xf32>
          tpu.vector_store %arg11[%swap3A_638, %swap3A_639, %swap3A_640], %swap3A_643 {strides = array<i32>} : memref<2x256x128xf32, #tpu.memory_space<vmem>>, vector<1x1x16xf32>,
          %scan3A_644 = arith.constant 0 : i32
          scf.yield %scan3A_644 : i32
        }
        %scan3A_526 = arith.constant 16 : i32
        %scan3A_527 = arith.constant 0 : i32
        scf.yield %scan3A_527 : i32
      }
      %scan3A_411 = arith.constant 16 : i32
      %mul3A_412 = arith.constant 256 : i32
      %mul3A_413 = arith.muli %add3A_360, %mul3A_412 : i32
      %add3A_414 = arith.addi %mul3A_2, %mul3A_413 : i32
      %dma_start3A_415 = arith.constant 1 : i32
      %dma_start3A_416 = arith.constant 1 : i32
      %dma_start3A_417 = arith.constant 0 : i32
      %dma_start3A_418 = arith.constant 0 : i32
      %dma_start3A_419 = tpu.memref_slice %arg11[%dma_start3A_415, %dma_start3A_417, %dma_start3A_418] : memref<2x256x128xf32, #tpu.memory_space<vmem>> -> memref<1x256x128xf32, #tpu.memory_space<vmem>>
      %dma_start3A_420 = tpu.memref_squeeze %dma_start3A_419 : memref<1x256x128xf32, #tpu.memory_space<vmem>> -> memref<256x128xf32, #tpu.memory_space<vmem>>
      %dma_start3A_421 = arith.constant 0 : i32
      %dma_start3A_422 = tpu.memref_slice %arg6[%add3A_414, %dma_start3A_421] : memref<3276800x128xf32, #tpu.memory_space<hbm>> -> memref<256x128xf32, #tpu.memory_space<hbm>>
      %dma_start3A_423 = tpu.memref_slice %arg13[%dma_start3A_416] : memref<2x!tpu.dma_semaphore, #tpu.memory_space<semaphore_mem>> -> memref<1x!tpu.dma_semaphore, #tpu.memory_space<semaphore_mem>>
      %dma_start3A_424 = tpu.memref_squeeze %dma_start3A_423 : memref<1x!tpu.dma_semaphore, #tpu.memory_space<semaphore_mem>> -> memref<!tpu.dma_semaphore, #tpu.memory_space<semaphore_mem>>
      %dma_start3A_425 = arith.constant 0 : i32
      %dma_start3A_426 = tpu.memref_slice %arg6[%add3A_414, %dma_start3A_425] : memref<3276800x128xf32, #tpu.memory_space<hbm>> -> memref<256x128xf32, #tpu.memory_space<hbm>>
      %dma_start3A_427 = arith.constant 0 : i32
      %dma_start3A_428 = arith.constant 0 : i32
      %dma_start3A_429 = tpu.memref_slice %arg11[%dma_start3A_415, %dma_start3A_427, %dma_start3A_428] : memref<2x256x128xf32, #tpu.memory_space<vmem>> -> memref<1x256x128xf32, #tpu.memory_space<vmem>>
      %dma_start3A_430 = tpu.memref_squeeze %dma_start3A_429 : memref<1x256x128xf32, #tpu.memory_space<vmem>> -> memref<256x128xf32, #tpu.memory_space<vmem>>
      tpu.enqueue_dma source(%dma_start3A_430 : memref<256x128xf32, #tpu.memory_space<vmem>>) target(%dma_start3A_426 : memref<256x128xf32, #tpu.memory_space<hbm>>) target_semaphore(%dma_start3A_424 : memref<!tpu.dma_semaphore, #tpu.memory_space<semaphore_mem>>)
      %add3A_431 = arith.constant 2 : i32
      %add3A_432 = arith.addi %add3A_360, %add3A_431 : i32
      %lt3A_433 = arith.constant 400 : i32
      %lt3A_434 = arith.cmpi slt, %add3A_432, %lt3A_433 : i32
      %convert_element_type3A_435 = arith.extui %lt3A_434 : i1 to i32
      %cond3A_436 = arith.constant 0 : i32
      %cond3A_437 = arith.cmpi ne, %convert_element_type3A_435, %cond3A_436 : i32
      scf.if %cond3A_437 {
        %add3A_439 = arith.constant 2 : i32
        %add3A_440 = arith.addi %add3A_360, %add3A_439 : i32
        %mul3A_441 = arith.constant 256 : i32
        %mul3A_442 = arith.muli %add3A_440, %mul3A_441 : i32
        %add3A_443 = arith.addi %mul3A_2, %mul3A_442 : i32
        %dma_start3A_444 = arith.constant 1 : i32
        %dma_start3A_445 = arith.constant 1 : i32
        %dma_start3A_446 = arith.constant 0 : i32
        %dma_start3A_447 = tpu.memref_slice %arg8[%dma_start3A_444, %dma_start3A_446] : memref<2x256xi32, #tpu.memory_space<vmem>> -> memref<1x256xi32, #tpu.memory_space<vmem>>
        %dma_start3A_448 = tpu.memref_squeeze %dma_start3A_447 : memref<1x256xi32, #tpu.memory_space<vmem>> -> memref<256xi32, #tpu.memory_space<vmem>>
        %dma_start3A_449 = tpu.memref_slice %arg2[%add3A_443] : memref<3276800xi32, #tpu.memory_space<hbm>> -> memref<256xi32, #tpu.memory_space<hbm>>
        %dma_start3A_450 = tpu.memref_slice %arg12[%dma_start3A_445] : memref<2x!tpu.dma_semaphore, #tpu.memory_space<semaphore_mem>> -> memref<1x!tpu.dma_semaphore, #tpu.memory_space<semaphore_mem>>
        %dma_start3A_451 = tpu.memref_squeeze %dma_start3A_450 : memref<1x!tpu.dma_semaphore, #tpu.memory_space<semaphore_mem>> -> memref<!tpu.dma_semaphore, #tpu.memory_space<semaphore_mem>>
        %dma_start3A_452 = arith.constant 0 : i32
        %dma_start3A_453 = tpu.memref_slice %arg8[%dma_start3A_444, %dma_start3A_452] : memref<2x256xi32, #tpu.memory_space<vmem>> -> memref<1x256xi32, #tpu.memory_space<vmem>>
        %dma_start3A_454 = tpu.memref_squeeze %dma_start3A_453 : memref<1x256xi32, #tpu.memory_space<vmem>> -> memref<256xi32, #tpu.memory_space<vmem>>
        %dma_start3A_455 = tpu.memref_slice %arg2[%add3A_443] : memref<3276800xi32, #tpu.memory_space<hbm>> -> memref<256xi32, #tpu.memory_space<hbm>>
        tpu.enqueue_dma source(%dma_start3A_455 : memref<256xi32, #tpu.memory_space<hbm>>) target(%dma_start3A_454 : memref<256xi32, #tpu.memory_space<vmem>>) target_semaphore(%dma_start3A_451 : memref<!tpu.dma_semaphore, #tpu.memory_space<semaphore_mem>>)
        %dma_start3A_456 = arith.constant 1 : i32
        %dma_start3A_457 = arith.constant 1 : i32
        %dma_start3A_458 = arith.constant 0 : i32
        %dma_start3A_459 = tpu.memref_slice %arg9[%dma_start3A_456, %dma_start3A_458] : memref<2x256xf32, #tpu.memory_space<vmem>> -> memref<1x256xf32, #tpu.memory_space<vmem>>
        %dma_start3A_460 = tpu.memref_squeeze %dma_start3A_459 : memref<1x256xf32, #tpu.memory_space<vmem>> -> memref<256xf32, #tpu.memory_space<vmem>>
        %dma_start3A_461 = tpu.memref_slice %arg3[%add3A_443] : memref<3276800xf32, #tpu.memory_space<hbm>> -> memref<256xf32, #tpu.memory_space<hbm>>
        %dma_start3A_462 = tpu.memref_slice %arg12[%dma_start3A_457] : memref<2x!tpu.dma_semaphore, #tpu.memory_space<semaphore_mem>> -> memref<1x!tpu.dma_semaphore, #tpu.memory_space<semaphore_mem>>
        %dma_start3A_463 = tpu.memref_squeeze %dma_start3A_462 : memref<1x!tpu.dma_semaphore, #tpu.memory_space<semaphore_mem>> -> memref<!tpu.dma_semaphore, #tpu.memory_space<semaphore_mem>>
        %dma_start3A_464 = arith.constant 0 : i32
        %dma_start3A_465 = tpu.memref_slice %arg9[%dma_start3A_456, %dma_start3A_464] : memref<2x256xf32, #tpu.memory_space<vmem>> -> memref<1x256xf32, #tpu.memory_space<vmem>>
        %dma_start3A_466 = tpu.memref_squeeze %dma_start3A_465 : memref<1x256xf32, #tpu.memory_space<vmem>> -> memref<256xf32, #tpu.memory_space<vmem>>
        %dma_start3A_467 = tpu.memref_slice %arg3[%add3A_443] : memref<3276800xf32, #tpu.memory_space<hbm>> -> memref<256xf32, #tpu.memory_space<hbm>>
        tpu.enqueue_dma source(%dma_start3A_467 : memref<256xf32, #tpu.memory_space<hbm>>) target(%dma_start3A_466 : memref<256xf32, #tpu.memory_space<vmem>>) target_semaphore(%dma_start3A_463 : memref<!tpu.dma_semaphore, #tpu.memory_space<semaphore_mem>>)
        %dma_start3A_468 = arith.constant 1 : i32
        %dma_start3A_469 = arith.constant 1 : i32
        %dma_start3A_470 = arith.constant 0 : i32
        %dma_start3A_471 = tpu.memref_slice %arg10[%dma_start3A_468, %dma_start3A_470] : memref<2x256xf32, #tpu.memory_space<vmem>> -> memref<1x256xf32, #tpu.memory_space<vmem>>
        %dma_start3A_472 = tpu.memref_squeeze %dma_start3A_471 : memref<1x256xf32, #tpu.memory_space<vmem>> -> memref<256xf32, #tpu.memory_space<vmem>>
        %dma_start3A_473 = tpu.memref_slice %arg4[%add3A_443] : memref<3276800xf32, #tpu.memory_space<hbm>> -> memref<256xf32, #tpu.memory_space<hbm>>
        %dma_start3A_474 = tpu.memref_slice %arg12[%dma_start3A_469] : memref<2x!tpu.dma_semaphore, #tpu.memory_space<semaphore_mem>> -> memref<1x!tpu.dma_semaphore, #tpu.memory_space<semaphore_mem>>
        %dma_start3A_475 = tpu.memref_squeeze %dma_start3A_474 : memref<1x!tpu.dma_semaphore, #tpu.memory_space<semaphore_mem>> -> memref<!tpu.dma_semaphore, #tpu.memory_space<semaphore_mem>>
        %dma_start3A_476 = arith.constant 0 : i32
        %dma_start3A_477 = tpu.memref_slice %arg10[%dma_start3A_468, %dma_start3A_476] : memref<2x256xf32, #tpu.memory_space<vmem>> -> memref<1x256xf32, #tpu.memory_space<vmem>>
        %dma_start3A_478 = tpu.memref_squeeze %dma_start3A_477 : memref<1x256xf32, #tpu.memory_space<vmem>> -> memref<256xf32, #tpu.memory_space<vmem>>
        %dma_start3A_479 = tpu.memref_slice %arg4[%add3A_443] : memref<3276800xf32, #tpu.memory_space<hbm>> -> memref<256xf32, #tpu.memory_space<hbm>>
        tpu.enqueue_dma source(%dma_start3A_479 : memref<256xf32, #tpu.memory_space<hbm>>) target(%dma_start3A_478 : memref<256xf32, #tpu.memory_space<vmem>>) target_semaphore(%dma_start3A_475 : memref<!tpu.dma_semaphore, #tpu.memory_space<semaphore_mem>>)
      } else {
      }
      %scan3A_438 = arith.constant 0 : i32
      scf.yield %scan3A_438 : i32
    }
    %scan3A_242 = arith.constant 200 : i32
    %add3A_243 = arith.constant 101888 : i32
    %add3A_244 = arith.addi %mul3A_2, %add3A_243 : i32
    %dma_wait3A = arith.constant 0 : i32
    %dma_wait3A_245 = arith.constant 0 : i32
    %dma_wait3A_246 = arith.constant 0 : i32
    %dma_wait3A_247 = arith.constant 0 : i32
    %dma_wait3A_248 = tpu.memref_slice %arg11[%dma_wait3A, %dma_wait3A_246, %dma_wait3A_247] : memref<2x256x128xf32, #tpu.memory_space<vmem>> -> memref<1x256x128xf32, #tpu.memory_space<vmem>>
    %dma_wait3A_249 = tpu.memref_squeeze %dma_wait3A_248 : memref<1x256x128xf32, #tpu.memory_space<vmem>> -> memref<256x128xf32, #tpu.memory_space<vmem>>
    %dma_wait3A_250 = arith.constant 0 : i32
    %dma_wait3A_251 = tpu.memref_slice %arg6[%add3A_244, %dma_wait3A_250] : memref<3276800x128xf32, #tpu.memory_space<hbm>> -> memref<256x128xf32, #tpu.memory_space<hbm>>
    %dma_wait3A_252 = tpu.memref_slice %arg13[%dma_wait3A_245] : memref<2x!tpu.dma_semaphore, #tpu.memory_space<semaphore_mem>> -> memref<1x!tpu.dma_semaphore, #tpu.memory_space<semaphore_mem>>
    %dma_wait3A_253 = tpu.memref_squeeze %dma_wait3A_252 : memref<1x!tpu.dma_semaphore, #tpu.memory_space<semaphore_mem>> -> memref<!tpu.dma_semaphore, #tpu.memory_space<semaphore_mem>>
    %dma_wait3A_254 = arith.constant 0 : i32
    %dma_wait3A_255 = tpu.memref_slice %arg6[%add3A_244, %dma_wait3A_254] : memref<3276800x128xf32, #tpu.memory_space<hbm>> -> memref<256x128xf32, #tpu.memory_space<hbm>>
    %dma_wait3A_256 = arith.constant 0 : i32
    %dma_wait3A_257 = arith.constant 0 : i32
    %dma_wait3A_258 = tpu.memref_slice %arg11[%dma_wait3A, %dma_wait3A_256, %dma_wait3A_257] : memref<2x256x128xf32, #tpu.memory_space<vmem>> -> memref<1x256x128xf32, #tpu.memory_space<vmem>>
    %dma_wait3A_259 = tpu.memref_squeeze %dma_wait3A_258 : memref<1x256x128xf32, #tpu.memory_space<vmem>> -> memref<256x128xf32, #tpu.memory_space<vmem>>
    tpu.wait_dma2 semaphore(%dma_wait3A_253 : memref<!tpu.dma_semaphore, #tpu.memory_space<semaphore_mem>>) src(%dma_wait3A_259 : memref<256x128xf32, #tpu.memory_space<vmem>>) dst(%dma_wait3A_255 : memref<256x128xf32, #tpu.memory_space<hbm>>)
    %add3A_260 = arith.constant 102144 : i32
    %add3A_261 = arith.addi %mul3A_2, %add3A_260 : i32
    %dma_wait3A_262 = arith.constant 1 : i32
    %dma_wait3A_263 = arith.constant 1 : i32
    %dma_wait3A_264 = arith.constant 0 : i32
    %dma_wait3A_265 = arith.constant 0 : i32
    %dma_wait3A_266 = tpu.memref_slice %arg11[%dma_wait3A_262, %dma_wait3A_264, %dma_wait3A_265] : memref<2x256x128xf32, #tpu.memory_space<vmem>> -> memref<1x256x128xf32, #tpu.memory_space<vmem>>
    %dma_wait3A_267 = tpu.memref_squeeze %dma_wait3A_266 : memref<1x256x128xf32, #tpu.memory_space<vmem>> -> memref<256x128xf32, #tpu.memory_space<vmem>>
    %dma_wait3A_268 = arith.constant 0 : i32
    %dma_wait3A_269 = tpu.memref_slice %arg6[%add3A_261, %dma_wait3A_268] : memref<3276800x128xf32, #tpu.memory_space<hbm>> -> memref<256x128xf32, #tpu.memory_space<hbm>>
    %dma_wait3A_270 = tpu.memref_slice %arg13[%dma_wait3A_263] : memref<2x!tpu.dma_semaphore, #tpu.memory_space<semaphore_mem>> -> memref<1x!tpu.dma_semaphore, #tpu.memory_space<semaphore_mem>>
    %dma_wait3A_271 = tpu.memref_squeeze %dma_wait3A_270 : memref<1x!tpu.dma_semaphore, #tpu.memory_space<semaphore_mem>> -> memref<!tpu.dma_semaphore, #tpu.memory_space<semaphore_mem>>
    %dma_wait3A_272 = arith.constant 0 : i32
    %dma_wait3A_273 = tpu.memref_slice %arg6[%add3A_261, %dma_wait3A_272] : memref<3276800x128xf32, #tpu.memory_space<hbm>> -> memref<256x128xf32, #tpu.memory_space<hbm>>
    %dma_wait3A_274 = arith.constant 0 : i32
    %dma_wait3A_275 = arith.constant 0 : i32
    %dma_wait3A_276 = tpu.memref_slice %arg11[%dma_wait3A_262, %dma_wait3A_274, %dma_wait3A_275] : memref<2x256x128xf32, #tpu.memory_space<vmem>> -> memref<1x256x128xf32, #tpu.memory_space<vmem>>
    %dma_wait3A_277 = tpu.memref_squeeze %dma_wait3A_276 : memref<1x256x128xf32, #tpu.memory_space<vmem>> -> memref<256x128xf32, #tpu.memory_space<vmem>>
    tpu.wait_dma2 semaphore(%dma_wait3A_271 : memref<!tpu.dma_semaphore, #tpu.memory_space<semaphore_mem>>) src(%dma_wait3A_277 : memref<256x128xf32, #tpu.memory_space<vmem>>) dst(%dma_wait3A_273 : memref<256x128xf32, #tpu.memory_space<hbm>>)
    return
  }
}

</mosaic_0001>

<sc_bundles>
// kernel: kernel.3.cloned.1.call-start
scs
__scs_entry_jumppad:
0x0: {  	(pc) =	sbr.rel $0x88, $3  }
0x1: {  	(tag) =	ssettag $0x0;
	lr =	simm.s32 $0x1  }
0x2: {  	[smem:$0x3F9B] =	sst lr;
	_ =	strace $0xD0000000  }
0x3: {  	_ = 	snop  }
0x4: {  	_ = 	snop  }
0x5: {  	_ = 	snop  }
0x6: {  	_ = 	snop  }
0x7: {  	_ = 	snop  }
__scs_overlays_trampoline_lowered:
0x8: {  	[smem:$0x3FAA] =	sst s0  }
0x9: {  	[smem:$0x3FAB] =	sst s1  }
0xa: {  	[smem:$0x3FAC] =	sst s2  }
0xb: {  	[smem:$0x3FAD] =	sst s3  }
0xc: {  	[smem:$0x3FAE] =	sst s4  }
0xd: {  	[smem:$0x3FAF] =	sst s5  }
0xe: {  	[smem:$0x3FB0] =	sst s6  }
0xf: {  	[smem:$0x3FB1] =	sst s7  }
0x10: {  	[smem:$0x3FB2] =	sst s8  }
0x11: {  	[smem:$0x3FB3] =	sst s9;
	s0 =	simm.s32 @!p0 $0x0  }
0x12: {  	s1 =	sld [smem:$0x3F99];
	s0 =	simm.s32 @p0 $0x1  }
0x13: {  	[smem:$0x3FB4] =	sst s0;
	s0 =	simm.s32 @!p1 $0x0  }
0x14: {  	s2 =	sld [smem:$0x3F98];
	s0 =	simm.s32 @p1 $0x1  }
0x15: {  	[smem:$0x3FB5] =	sst s0;
	s0 =	simm.s32 @!p2 $0x0  }
0x16: {  	s3 =	sld [smem:$0x3FDB];
	s0 =	simm.s32 @p2 $0x1  }
0x17: {  	s4 =	simm.s32 $0x1BF5;
	[smem:$0x3FB7] =	sst s0  }
0x18: {  	s0 =	sld [smem:$0x3F9A];
	_ =	swait.ge [sflag:s4], $0x0  }
0x19: {  	s7 =	sld [smem:$0x3F9B]  }
0x1a: {  	s8 =	sadd.s32 $0xFFFFE003, lr  }
0x1b: {  	s9 =	sadd.s32 $0xFFFFFEF7, lr;
	s5 =	simm.s32 $0xFFFFFFFF;
	p2 =	slt.u32 s8, $0xFFFFF086  }
0x1c: {  	p1 =	slt.u32 s9, $0xF7A;
	s5 =	simm.s32 @!p2 $0x0  }
0x1d: {  	s5 =	simm.s32 @p1 $0x1;
	p0 =	seq.s32 s7, s2  }
0x1e: {  	s7 =	smul.u32 @!p0 $0xF7A, s2;
	p2 =	seq.s32 @!p0 s5, $0x0  }
0x1f: {  	s9 =	smul.u32 $0xF7A, s1;
	s8 =	simm.s32 @!p0 $0x1BF5;
	p2 =	por !p2, p0  }
0x20: {  	[sflag:s8] =	ssyncset.s32 @!p0 $0xFFFFF086;
	s6 =	sadd.s32 @!p0 s3, s7;
	s7 =	simm.s32 @!p0 $0x108  }
0x21: {  	s3 =	sadd.s32 s3, s9;
	s6 =	sadd.s32 @!p0 $0x88, s6;
	s7 =	simm.s32 @p2 $0x1082  }
0x22: {  	[simem:s7], [sflag:s8] =	dma.local @!p0 [hbm:s6], $0xF7A  }
0x23: {  	s9 =	sor.u32 $0xD0000000, s2;
	s6 =	simm.s32 $0x108;
	_ =	swait.ge @!p0 [sflag:s8], $0x0  }
0x24: {  	s3 =	sadd.s32 $0x88, s3;
	s6 =	simm.s32 @!p1 $0x1082;
	[sflag:s4] =	ssyncset.s32 $0xFFFFF086  }
0x25: {  	[simem:s6], [sflag:s4] =	dma.local [hbm:s3], $0xF7A  }
0x26: {  	[smem:$0x3F9B] =	sst s1;
	(tag) =	ssettag s2;
	_ =	strace s9  }
0x27: {  	s1 =	sld [smem:$0x3FAB]  }
0x28: {  	s2 =	sld [smem:$0x3FAC]  }
0x29: {  	s4 =	sld [smem:$0x3FAE]  }
0x2a: {  	p0 =	seq.s32 s5, $0x0;
	s5 =	sld [smem:$0x3FAF]  }
0x2b: {  	s6 =	sld [smem:$0x3FB0]  }
0x2c: {  	s7 =	sld [smem:$0x3FB1]  }
0x2d: {  	s3 =	simm.s32 $0x108;
	s8 =	sld [smem:$0x3FB2]  }
0x2e: {  	s3 =	simm.s32 @!p0 $0x1082;
	s9 =	sld [smem:$0x3FB3]  }
0x2f: {  	lr =	sadd.s32 s0, s3;
	s0 =	sld [smem:$0x3FAA]  }
0x30: {  	s3 =	sld [smem:$0x3FAD]  }
0x31: {  	[smem:$0x3FB6] =	sst s10  }
0x32: {  	s10 =	sld [smem:$0x3FB4];
	_ =	sdelay $0x3  }
0x33: {  	p0 =	seq.s32 s10, $0x1;
	s10 =	sld [smem:$0x3FB6];
	_ =	sdelay $0x3  }
0x34: {  	[smem:$0x3FB6] =	sst s10  }
0x35: {  	s10 =	sld [smem:$0x3FB5];
	_ =	sdelay $0x3  }
0x36: {  	p1 =	seq.s32 s10, $0x1;
	s10 =	sld [smem:$0x3FB6];
	_ =	sdelay $0x3  }
0x37: {  	[smem:$0x3FB6] =	sst s10  }
0x38: {  	s10 =	sld [smem:$0x3FB7]  }
0x39: {  	_ = 	snop;
	(pc) =	sbr.ind lr, $3  }
0x3a: {  	_ = 	snop  }
0x3b: {  	_ = 	snop  }
0x3c: {  	p2 =	seq.s32 s10, $0x1;
	s10 =	sld [smem:$0x3FB6]  }
0x3d: {  	_ =	shalt  }
0x3e: {  	_ =	shalt  }
0x3f: {  	_ =	shalt  }
0x40: {  	_ =	shalt  }
0x41: {  	_ =	shalt  }
0x42: {  	_ =	shalt  }
0x43: {  	_ =	shalt  }
0x44: {  	_ =	shalt  }
0x45: {  	_ =	shalt  }
0x46: {  	_ =	shalt  }
0x47: {  	_ =	shalt  }
0x48: {  	_ =	shalt  }
0x49: {  	_ =	shalt  }
0x4a: {  	_ =	shalt  }
0x4b: {  	_ =	shalt  }
0x4c: {  	_ =	shalt  }
0x4d: {  	_ =	shalt  }
0x4e: {  	_ =	shalt  }
0x4f: {  	_ =	shalt  }
0x50: {  	_ =	shalt  }
0x51: {  	_ =	shalt  }
0x52: {  	_ =	shalt  }
0x53: {  	_ =	shalt  }
0x54: {  	_ =	shalt  }
0x55: {  	_ =	shalt  }
0x56: {  	_ =	shalt  }
0x57: {  	_ =	shalt  }
0x58: {  	_ =	shalt  }
0x59: {  	_ =	shalt  }
0x5a: {  	_ =	shalt  }
0x5b: {  	_ =	shalt  }
0x5c: {  	_ =	shalt  }
0x5d: {  	_ =	shalt  }
0x5e: {  	_ =	shalt  }
0x5f: {  	_ =	shalt  }
0x60: {  	_ =	shalt  }
0x61: {  	_ =	shalt  }
0x62: {  	_ =	shalt  }
0x63: {  	_ =	shalt  }
0x64: {  	_ =	shalt  }
0x65: {  	_ =	shalt  }
0x66: {  	_ =	shalt  }
0x67: {  	_ =	shalt  }
0x68: {  	_ =	shalt  }
0x69: {  	_ =	shalt  }
0x6a: {  	_ =	shalt  }
0x6b: {  	_ =	shalt  }
0x6c: {  	_ =	shalt  }
0x6d: {  	_ =	shalt  }
0x6e: {  	_ =	shalt  }
0x6f: {  	_ =	shalt  }
0x70: {  	_ =	shalt  }
0x71: {  	_ =	shalt  }
0x72: {  	_ =	shalt  }
0x73: {  	_ =	shalt  }
0x74: {  	_ =	shalt  }
0x75: {  	_ =	shalt  }
0x76: {  	_ =	shalt  }
0x77: {  	_ =	shalt  }
0x78: {  	_ =	shalt  }
0x79: {  	_ =	shalt  }
0x7a: {  	_ =	shalt  }
0x7b: {  	_ =	shalt  }
0x7c: {  	_ =	shalt  }
0x7d: {  	_ =	shalt  }
0x7e: {  	_ =	shalt  }
0x7f: {  	_ =	shalt  }
0x80: {  	_ =	shalt  }
0x81: {  	_ =	shalt  }
0x82: {  	_ =	shalt  }
0x83: {  	_ =	shalt  }
0x84: {  	_ =	shalt  }
0x85: {  	_ =	shalt  }
0x86: {  	_ =	shalt  }
0x87: {  	_ =	shalt  }
.Lfunc_end0:
.L_simem_size_0:
called_computation_lowered:
.L_overlay_start_0:
0x88: {  	s2 =	sld [smem:$0x3FD9]  }
0x89: {  	s3 =	sld [smem:$0x3FFE];
	_ =	sdelay $0x1  }
0x8a: {  	s1 =	srdreg.scid  }
0x8b: {  	s0 =	sand.u32 $0x1, s1  }
0x8c: {  	s17 =	sshll.u32 s0, $0xA;
	s2 =	sadd.s32 s3, s2  }
0x8d: {  	s2 =	sadd.s32 s2, s17  }
0x8e: {  	[smem:$0x3FC2] =	sst s2  }
0x8f: {  	_ = 	snop  }
0x90: {  	s2 =	sld [smem:$0x3FD0];
	(tm) =	ssettm $0x1  }
0x91: {  	s18 =	sld [smem:$0x3FFB];
	_ =	sdelay $0x3  }
0x92: {  	_ =	strace s18  }
0x93: {  	s3 =	sld [smem:$0x3FFC];
	_ =	sdelay $0x3  }
0x94: {  	_ =	strace s3  }
0x95: {  	s3 =	sld [smem:$0x3FFD];
	_ =	sdelay $0x3  }
0x96: {  	_ =	strace s3  }
0x97: {  	_ =	strace $0x8FFFFFFF  }
0x98: {  	s19 =	sld [smem:$0x3FDB];
	_ =	sdelay $0x1  }
0x99: {  	s4 =	simm.s32 $_scs_section_size  }
0x9a: {  	s5 =	simm.s32 $_size__tile_overlayer_lowered;
	s6 =	simm.s32 $_tile_overlayer_lowered  }
0x9b: {  	s22 =	simm.s32 $0x1BFF;
	s21 =	sshll.u32 s6, $0x1;
	s3 =	sadd.s32 s4, s19  }
0x9c: {  	s7 =	simm.s32 $0x0;
	s20 =	sshll.u32 s5, $0x1;
	s5 =	sadd.s32 s21, s3  }
0x9d: {  	[timem:s7], [sflag:s22] =	dma.local [hbm:s5], s20  }
0x9e: {  	_ =	swait.ge [sflag:s22], s20  }
0x9f: {  	s4 =	ssub.s32 $0x0, s20;
	[sflag:s22] =	ssyncset.done $0x0  }
0xa0: {  	[sflag:s22] =	ssyncadd.s32 s4;
	_ =	sdelay $0x1  }
0xa1: {  	s23 =	simm.s32 $0x1B8B  }
0xa2: {  	_ =	swait.ge [sflag:s23], $0x1  }
0xa3: {  	[sflag:s23] =	ssyncset.done $0x0  }
0xa4: {  	s25 =	simm.s32 $0x1B8E;
	s24 =	sld [smem:$0x3FFE];
	[sflag:s23] =	ssyncadd.s32 $0xFFFFFFFF  }
0xa5: {  	s26 =	simm.s32 $execute0_lowered;
	[smem:$0x3FD2] =	sst s25  }
0xa6: {  	s5 =	sshll.u32 s26, $0x1;
	_ =	strace $0x80000046;
	[dreg:$0x1] =	wrdreg $0xFFFFFFFF  }
0xa7: {  	s28 =	simm.s32 $_size_execute0_lowered;
	s3 =	sadd.s32 s3, s5;
	[dreg:$0x0] =	wrdreg $0x0  }
0xa8: {  	s5 =	sshll.u32 s28, $0x1;
	[dreg:$0x2] =	wrdreg s3  }
0xa9: {  	[dreg:$0x3] =	wrdreg s5  }
0xaa: {  	[dreg:$0x4] =	wrdreg $0xC0  }
0xab: {  	_ =	task [dreg:s7], $0x5FFFF  }
0xac: {  	[dreg:$0x1] =	wrdreg $0xFFFFFFFF  }
0xad: {  	[dreg:$0x0] =	wrdreg $0x60  }
0xae: {  	[dreg:$0x2] =	wrdreg s24  }
0xaf: {  	[dreg:$0x3] =	wrdreg s2  }
0xb0: {  	[dreg:$0x4] =	wrdreg $0x9  }
0xb1: {  	_ =	task.clear_ibuf [dreg:s7], $0x5FFFF;
	_ =	strace $0x90000046  }
0xb2: {  	s29 =	simm.s32 $0x9;
	_ =	strace $0x80000048  }
0xb3: {  	_ =	swait.ge [sflag:s29], $0x1  }
0xb4: {  	[sflag:s29] =	ssyncadd.s32 $0xFFFFFFFF  }
0xb5: {  	_ =	strace $0x90000048  }
0xb6: {  	_ =	sfence  }
0xb7: {  	s30 =	sld [smem:$0x0];
	_ =	sdelay $0x2  }
0xb8: {  	s31 =	sshll.u32 s1, $0xD;
	s1 =	sshrl.u32 s1, $0x2  }
0xb9: {  	s3 =	sand.u32 $0x4000, s31;
	s1 =	sadd.s32 s1, s30  }
0xba: {  	s0 =	sor.u32 s3, s0;
	s1 =	sshll.u32 s1, $0x11  }
0xbb: {  	s0 =	sor.u32 s1, s0  }
0xbc: {  	s0 =	sadd.s32 $0x8F2B, s0  }
0xbd: {  	[sflag:s0] =	ssyncadd.remote.s32 $0x1  }
0xbe: {  	_ =	sfence.sel $0xFFFF  }
0xbf: {  	[dreg:$0x0] =	wrdreg $0xFFFFFFFF;
	(pc) =	sbr.abs _section_cstart, $3  }
0xc0: {  	[dreg:$0x1] =	wrdreg $0xFFFFFFFF  }
0xc1: {  	_ =	task.clear_ibuf [dreg:s7], $0x2FFFF;
	_ =	strace $0x9FFFFFFF  }
0xc2: {  	(tm) =	ssettm $0x7FFFFFFF  }
0xc3: {  	_ =	shalt  }
tec
execute0_lowered:
.L_overlay_start_1:
0x0: {  	(tag) =	ssettag $0x1  }
0x1: {  	s0 =	rddreg [dreg:$0x0]  }
0x2: {  	s2 =	rddreg [dreg:$0x1]  }
0x3: {  	s3 =	simm.s32 $0x0;
	s1 =	srdreg.scid;
	s4 =	stileid.u32  }
0x4: {  	s28 =	simm.s32 $0x280;
	s29 =	simm.s32 $0x380;
	s30 =	simm.s32 $0x480  }
0x5: {  	s31 =	simm.s32 $0x580;
	[smem:$0x7FF] =	sst s3;
	s1 =	sand.u32 $0x1, s1  }
0x6: {  	s4 =	sshll.u32 s4, $0x1;
	s5 =	sadd.s32 $0x65600, s0;
	s6 =	sadd.s32 $0xC9600, s0  }
0x7: {  	_ =	strace $0x80000047;
	s7 =	sor.u32 s1, s4;
	s4 =	sadd.s32 $0x1600, s0  }
0x8: {  	s1 =	ssub.s32 $0x2, s1;
	s0 =	sadd.s32 $0x12D600, s0;
	s8 =	smul.u32 $0x19000, s7  }
0x9: {  	s9 =	sshrl.u32 s1, $0x1;
	[dreg:$0x3] =	wrdreg s0;
	s14 =	smul.u32 $0xC80000, s7  }
0xa: {  	s19 =	ssub.s32 s1, s9;
	s9 =	simm.s32 $0x0;
	s20 =	sshrl.u32 s8, $0x3  }
0xb: {  	s15 =	sor.u32 $0x200, s8;
	s16 =	sor.u32 $0x100, s8;
	s0 =	smax.u32 s19, $0x1  }
0xc: {  	s17 =	sor.u32 $0x300, s8;
	s21 =	sadd.s32 s5, s20;
	[dreg:$0xa] =	wrdreg s0  }
0xd: {  	s10 =	sadd.s32 s4, s20;
	s1 =	sadd.s32 s6, s20;
	[dreg:$0x5] =	wrdreg s21  }
0xe: {  	s22 =	sor.u32 $0x20, s20;
	s0 =	simm.s32 $0x680;
	[dreg:$0x6] =	wrdreg s1  }
.Ltmp0:
0xf: {  	s23 =	sadd.s32 s4, s22;
	[dreg:$0x4] =	wrdreg s10;
	(pc) =	sbr.rel .LBB2_1-.Ltmp0, $4  }
0x10: {  	s20 =	simm.s32 $0x1;
	s24 =	sadd.s32 s5, s22;
	[dreg:$0x7] =	wrdreg s23  }
0x11: {  	s25 =	sadd.s32 s6, s22;
	s26 =	sadd.s32 $0x10, s10;
	[dreg:$0x8] =	wrdreg s24  }
0x12: {  	s1 =	simm.s32 $0x780;
	s22 =	simm.s32 $0x800;
	[dreg:$0x9] =	wrdreg s25  }
0x13: {  	[dreg:$0xb] =	wrdreg s26;
	s23 =	simm.s32 $0x2;
	s24 =	simm.s32 $0x8800  }
.LBB2_16:
0x14: {  	s7 =	simm.s32 $0x3  }
0x15: {  	_ =	swait.ge [sflag:s7], $0x8000  }
0x16: {  	[sflag:s7] =	ssyncset.done $0x0  }
0x17: {  	s8 =	simm.s32 $0x4;
	[sflag:s7] =	ssyncadd.s32 $0xFFFF8000  }
0x18: {  	_ =	swait.ge [sflag:s8], $0x8000  }
0x19: {  	s9 =	rddreg [dreg:$0xc]  }
0x1a: {  	s26 =	rddreg [dreg:$0xa];
	s9 =	sadd.s32 $0x1, s9  }
0x1b: {  	p0 =	sne.s32 s9, s26  }
.Ltmp1:
0x1c: {  	_ = 	snop;
	(pc) =	sbr.rel @!p0 .LBB2_17-.Ltmp1, $3  }
0x1d: {  	_ =	sdelay $0x1  }
0x1e: {  	[sflag:s8] =	ssyncset.done $0x0  }
0x1f: {  	[sflag:s8] =	ssyncadd.s32 $0xFFFF8000  }
.LBB2_1:
0x20: {  	[dreg:$0xc] =	wrdreg s9  }
0x21: {  	s7 =	rddreg [dreg:$0x3];
	s25 =	simm.s32 $0x5  }
0x22: {  	[tilespmem:s3], [sflag:$0x5] =	stream.linear.gather [hbm4b:s7+s3], $0x200, $0x38;
	[tilespmem:$0x10800] =	vst v63  }
0x23: {  	_ =	swait.ge [sflag:s25], $0x200  }
0x24: {  	[sflag:s25] =	ssyncset.done $0x0  }
0x25: {  	[sflag:s25] =	ssyncadd.s32 $0xFFFFFE00  }
0x26: {  	v0 =	vld [tilespmem:$0x0]  }
0x27: {  	v1 =	vld [tilespmem:$0x10]  }
0x28: {  	v2 =	vld [tilespmem:$0x20]  }
0x29: {  	v3 =	vld [tilespmem:$0x30]  }
0x2a: {  	v4 =	vld [tilespmem:$0x40]  }
0x2b: {  	v5 =	vld [tilespmem:$0x50]  }
0x2c: {  	v6 =	vld [tilespmem:$0x60]  }
0x2d: {  	v7 =	vld [tilespmem:$0x70]  }
0x2e: {  	v8 =	vld [tilespmem:$0x80]  }
0x2f: {  	v9 =	vld [tilespmem:$0x90]  }
0x30: {  	v10 =	vld [tilespmem:$0xA0]  }
0x31: {  	v11 =	vld [tilespmem:$0xB0]  }
0x32: {  	v12 =	vld [tilespmem:$0xC0]  }
0x33: {  	v13 =	vld [tilespmem:$0xD0]  }
0x34: {  	v14 =	vld [tilespmem:$0xE0]  }
0x35: {  	v15 =	vld [tilespmem:$0xF0]  }
0x36: {  	v16 =	vld [tilespmem:$0x100]  }
0x37: {  	v17 =	vld [tilespmem:$0x110]  }
0x38: {  	v18 =	vld [tilespmem:$0x120]  }
0x39: {  	v19 =	vld [tilespmem:$0x130]  }
0x3a: {  	v20 =	vld [tilespmem:$0x140]  }
0x3b: {  	v21 =	vld [tilespmem:$0x150]  }
0x3c: {  	v22 =	vld [tilespmem:$0x160]  }
0x3d: {  	v23 =	vld [tilespmem:$0x170]  }
0x3e: {  	v24 =	vld [tilespmem:$0x180]  }
0x3f: {  	v25 =	vld [tilespmem:$0x190]  }
0x40: {  	v26 =	vld [tilespmem:$0x1A0]  }
0x41: {  	v27 =	vld [tilespmem:$0x1B0]  }
0x42: {  	v28 =	vld [tilespmem:$0x1C0]  }
0x43: {  	v29 =	vld [tilespmem:$0x1D0]  }
0x44: {  	s8 =	simm.s32 $0x200;
	s26 =	rddreg [dreg:$0x4];
	v30 =	vld [tilespmem:$0x1E0]  }
0x45: {  	v31 =	vld [tilespmem:$0x1F0];
	[tilespmem:s8], [sflag:$0x1] =	stream.linear.gather [hbm4b:s26+s3], $0x80, $0x38  }
0x46: {  	s9 =	simm.s32 $0x300;
	s8 =	rddreg [dreg:$0xb]  }
0x47: {  	[tilespmem:s9], [sflag:$0x1] =	stream.linear.gather [hbm4b:s8+s3], $0x80, $0x38;
	[tilespmem:$0x10800] =	vst v63  }
0x48: {  	s11 =	simm.s32 $0x400;
	s10 =	rddreg [dreg:$0x5]  }
0x49: {  	[tilespmem:s11], [sflag:$0x1] =	stream.linear.gather [hbm4b:s10+s3], $0x80, $0x38;
	[tilespmem:$0x10800] =	vst v63  }
0x4a: {  	s12 =	simm.s32 $0x500;
	s7 =	sadd.s32 $0x10, s10  }
0x4b: {  	[tilespmem:s12], [sflag:$0x1] =	stream.linear.gather [hbm4b:s7+s3], $0x80, $0x38;
	[tilespmem:$0x10800] =	vst v63  }
0x4c: {  	s18 =	simm.s32 $0x600;
	s13 =	rddreg [dreg:$0x6]  }
0x4d: {  	[tilespmem:s18], [sflag:$0x1] =	stream.linear.gather [hbm4b:s13+s3], $0x80, $0x38;
	[tilespmem:$0x10800] =	vst v63  }
0x4e: {  	s19 =	simm.s32 $0x700;
	s7 =	sadd.s32 $0x10, s13  }
0x4f: {  	[tilespmem:s19], [sflag:$0x1] =	stream.linear.gather [hbm4b:s7+s3], $0x80, $0x38;
	[tilespmem:$0x10800] =	vst v63  }
0x50: {  	s21 =	rddreg [dreg:$0x7]  }
0x51: {  	[tilespmem:s28], [sflag:$0x2] =	stream.linear.gather [hbm4b:s21+s3], $0x80, $0x38;
	[tilespmem:$0x10800] =	vst v63  }
0x52: {  	s7 =	sadd.s32 $0x10, s21  }
0x53: {  	[tilespmem:s29], [sflag:$0x2] =	stream.linear.gather [hbm4b:s7+s3], $0x80, $0x38;
	[tilespmem:$0x10800] =	vst v63  }
0x54: {  	s25 =	rddreg [dreg:$0x8]  }
0x55: {  	[tilespmem:s30], [sflag:$0x2] =	stream.linear.gather [hbm4b:s25+s3], $0x80, $0x38;
	[tilespmem:$0x10800] =	vst v63  }
0x56: {  	s7 =	sadd.s32 $0x10, s25  }
0x57: {  	[tilespmem:s31], [sflag:$0x2] =	stream.linear.gather [hbm4b:s7+s3], $0x80, $0x38;
	[tilespmem:$0x10800] =	vst v63  }
0x58: {  	s26 =	rddreg [dreg:$0x9]  }
0x59: {  	[tilespmem:s0], [sflag:$0x2] =	stream.linear.gather [hbm4b:s26+s3], $0x80, $0x38;
	[tilespmem:$0x10800] =	vst v63  }
0x5a: {  	s18 =	simm.s32 $0x0;
	s7 =	sadd.s32 $0x10, s26  }
0x5b: {  	[tilespmem:s1], [sflag:$0x2] =	stream.linear.gather [hbm4b:s7+s3], $0x80, $0x38;
	[tilespmem:$0x10800] =	vst v63  }
.LBB2_2:
0x5c: {  	_ =	swait.ge [sflag:s20], $0x100  }
0x5d: {  	[sflag:s20] =	ssyncset.done $0x0  }
0x5e: {  	[sflag:s20] =	ssyncadd.s32 $0xFFFFFF00  }
0x5f: {  	_ =	swait.ge [sflag:s20], $0x100  }
0x60: {  	[sflag:s20] =	ssyncset.done $0x0  }
0x61: {  	[sflag:s20] =	ssyncadd.s32 $0xFFFFFF00  }
0x62: {  	_ =	swait.ge [sflag:s20], $0x100  }
0x63: {  	p1 =	seq.s32 s18, $0x0;
	[sflag:s20] =	ssyncset.done $0x0  }
0x64: {  	s7 =	simm.s32 @!p1 $0x3;
	[sflag:s20] =	ssyncadd.s32 $0xFFFFFF00  }
0x65: {  	s21 =	sshll.u32 s18, $0x9;
	_ =	swait.ge @!p1 [sflag:s7], $0x8000  }
0x66: {  	s8 =	simm.s32 $0x0;
	s19 =	simm.s32 $0x840;
	[sflag:s7] =	ssyncset.done @!p1 $0x0  }
0x67: {  	s25 =	simm.s32 $0x1070;
	s26 =	simm.s32 $0x0;
	[sflag:s7] =	ssyncadd.s32 @!p1 $0xFFFF8000  }
.LBB2_3:
0x68: {  	s10 =	sshll.u32 s26, $0x4;
	s7 =	sshll.u32 s26, $0x5  }
0x69: {  	s11 =	sand.u32 $0x60, s10;
	s9 =	sand.u32 $0x100, s7  }
0x6a: {  	s7 =	sor.u32 s11, s9  }
0x6b: {  	v32 =	vld [tilespmem:s7+$0x200]  }
0x6c: {  	v34 =	vld [tilespmem:s7+$0x400];
	_ =	sdelay $0x1  }
0x6d: {  	v36 =	vmov s8;
	v35 =	vld [tilespmem:s7+$0x600]  }
0x6e: {  	v53 =	vand.u32 $0xF, v36  }
0x6f: {  	v36 =	vbroadcast v53, $0x0  }
0x70: {  	v33 =	vcvt.s32.f32 v32;
	v34 =	vmul.f32 $3.333333320e-06, v34;
	_ =	sdelay $0x1  }
0x71: {  	v35 =	vmul.f32 $1.157407410e-05, v35;
	v54 =	vmax.f32 v34, $0.0e+00;
	v37 =	vperm.xlane v33, v36  }
0x72: {  	v34 =	vmin.f32 v54, $1.000000000e+00  }
0x73: {  	v55 =	vmax.f32 v35, $0.0e+00;
	v40 =	vperm.xlane v34, v36;
	v38 =	vmul.f32 v37, v15  }
0x74: {  	v32 =	vmin.f32 v55, $1.000000000e+00;
	v39 =	vmul.f32 v37, v8;
	v41 =	vmul.f32 v37, v9  }
0x75: {  	v35 =	vperm.xlane v32, v36;
	v58 =	vmul.f32 v37, v10  }
0x76: {  	v43 =	vmul.f32 v37, v11;
	v44 =	vmul.f32 v37, v12  }
0x77: {  	v45 =	vmul.f32 v37, v13;
	v37 =	vmul.f32 v37, v14  }
0x78: {  	v56 =	vadd.f32 v38, v7;
	v57 =	vmul.f32 v40, v23;
	v42 =	vadd.f32 v39, v0  }
0x79: {  	v59 =	vmul.f32 v35, v31;
	v41 =	vadd.f32 v41, v1;
	v46 =	vmul.f32 v40, v16  }
0x7a: {  	v47 =	vadd.f32 v58, v2;
	v48 =	vmul.f32 v40, v17;
	v49 =	vadd.f32 v43, v3  }
0x7b: {  	v50 =	vadd.f32 v44, v4;
	v60 =	vmul.f32 v40, v18;
	v51 =	vadd.f32 v45, v5  }
0x7c: {  	v39 =	vadd.f32 v37, v6;
	v61 =	vmul.f32 v40, v19;
	v36 =	vadd.f32 v57, v56  }
0x7d: {  	v62 =	vmul.f32 v40, v20;
	v63 =	vmul.f32 v40, v21;
	v38 =	vadd.f32 v46, v42  }
0x7e: {  	v44 =	vmul.f32 v40, v22;
	v41 =	vadd.f32 v48, v41;
	v36 =	vadd.f32 v59, v36  }
0x7f: {  	s13 =	simm.s32 $0x1;
	v43 =	vmul.f32 v35, v24;
	v40 =	vadd.f32 v60, v47;
	v37 =	vadd.f32 v61, v49  }
0x80: {  	s12 =	simm.s32 $0x2;
	s11 =	smov.u32 s19;
	v45 =	vmov s13;
	v42 =	vadd.f32 v62, v50;
	[tilespmem:s19+$0x30] =	vst v36;
	v36 =	vadd.f32 v63, v51  }
.LBB2_4:
0x81: {  	p0 =	sne.s32 s12, $0xF;
	v45 =	vand.u32 $0xF, v45;
	v46 =	vmul.f32 v35, v25;
	v39 =	vadd.f32 v44, v39  }
0x82: {  	v38 =	vadd.f32 v43, v38;
	v43 =	vmul.f32 v35, v26;
	v44 =	vbroadcast v45, $0x0  }
0x83: {  	v45 =	vmul.f32 v35, v27;
	v41 =	vadd.f32 v46, v41;
	v46 =	vmul.f32 v35, v28  }
0x84: {  	v47 =	vperm.xlane v33, v44;
	[tilespmem:s11+$0xFFFFFFC0] =	vst v38;
	v38 =	vadd.f32 v43, v40;
	v40 =	vmul.f32 v35, v29  }
0x85: {  	v37 =	vadd.f32 v45, v37;
	v35 =	vmul.f32 v35, v30;
	[tilespmem:s11+$0xFFFFFFD0] =	vst v41;
	v41 =	vadd.f32 v46, v42  }
0x86: {  	v42 =	vperm.xlane v34, v44;
	v43 =	vmul.f32 v47, v15;
	[tilespmem:s11+$0xFFFFFFE0] =	vst v38;
	v36 =	vadd.f32 v40, v36  }
0x87: {  	v38 =	vmul.f32 v47, v8;
	v40 =	vmul.f32 v47, v9;
	[tilespmem:s11+$0xFFFFFFF0] =	vst v37;
	v37 =	vadd.f32 v35, v39  }
0x88: {  	v35 =	vperm.xlane v32, v44;
	v39 =	vadd.f32 v43, v7;
	v43 =	vmul.f32 v42, v23;
	[tilespmem:s11+$0x0] =	vst v41  }
0x89: {  	v44 =	vmul.f32 v47, v11;
	v38 =	vadd.f32 v38, v0;
	v41 =	vmul.f32 v47, v10;
	[tilespmem:s11+$0x10] =	vst v36  }
0x8a: {  	v36 =	vmul.f32 v47, v12;
	v39 =	vadd.f32 v43, v39;
	v43 =	vmul.f32 v35, v31;
	[tilespmem:s11+$0x20] =	vst v37  }
0x8b: {  	v45 =	vmul.f32 v47, v14;
	v37 =	vadd.f32 v40, v1;
	v40 =	vmul.f32 v47, v13  }
0x8c: {  	v46 =	vmul.f32 v42, v16;
	v47 =	vadd.f32 v41, v2;
	v41 =	vadd.f32 v43, v39  }
0x8d: {  	v48 =	vadd.f32 v44, v3;
	s11 =	sadd.s32 $0x80, s11;
	v36 =	vadd.f32 v36, v4;
	v43 =	vmul.f32 v42, v17  }
.Ltmp2:
0x8e: {  	v49 =	vmul.f32 v42, v18;
	v50 =	vadd.f32 v40, v5;
	v39 =	vadd.f32 v45, v6;
	[tilespmem:s11+$0x30] =	vst v41;
	(pc) =	sbr.rel @p0 .LBB2_4-.Ltmp2, $4  }
0x8f: {  	v38 =	vadd.f32 v46, v38;
	v46 =	vmul.f32 v42, v20;
	v45 =	vmul.f32 v42, v19  }
0x90: {  	v51 =	vmul.f32 v42, v21;
	v44 =	vmul.f32 v42, v22;
	v41 =	vadd.f32 v43, v37  }
0x91: {  	v40 =	vadd.f32 v49, v47;
	v43 =	vmul.f32 v35, v24;
	v37 =	vadd.f32 v45, v48  }
0x92: {  	v42 =	vadd.f32 v46, v36;
	v45 =	vmov s12;
	s12 =	sadd.s32 $0x1, s12;
	v36 =	vadd.f32 v51, v50  }
0x93: {  	v45 =	vand.u32 $0xF, v45;
	v46 =	vmul.f32 v35, v25;
	v49 =	vmul.f32 v35, v26  }
0x94: {  	v50 =	vmul.f32 v35, v27;
	v48 =	vbroadcast v45, $0x0  }
0x95: {  	v39 =	vadd.f32 v44, v39;
	v51 =	vmul.f32 v35, v28;
	v52 =	vmul.f32 v35, v29  }
0x96: {  	v38 =	vadd.f32 v43, v38;
	v53 =	vmul.f32 v35, v30;
	v33 =	vperm.xlane v33, v48  }
0x97: {  	v41 =	vadd.f32 v46, v41;
	v34 =	vperm.xlane v34, v48;
	v32 =	vperm.xlane v32, v48  }
0x98: {  	v40 =	vadd.f32 v49, v40;
	v54 =	vmul.f32 v33, v15;
	v55 =	vmul.f32 v33, v8  }
0x99: {  	v37 =	vadd.f32 v50, v37;
	v56 =	vmul.f32 v33, v9;
	v58 =	vmul.f32 v34, v23  }
0x9a: {  	v42 =	vadd.f32 v51, v42;
	v60 =	vmul.f32 v33, v10;
	v47 =	vmul.f32 v33, v11  }
0x9b: {  	v36 =	vadd.f32 v52, v36;
	v48 =	vmul.f32 v33, v12;
	v61 =	vmul.f32 v32, v31  }
0x9c: {  	v35 =	vadd.f32 v53, v39;
	v49 =	vmul.f32 v33, v13;
	v33 =	vmul.f32 v33, v14  }
0x9d: {  	v62 =	vmul.f32 v34, v16;
	v57 =	vadd.f32 v54, v7;
	v59 =	vadd.f32 v55, v0  }
0x9e: {  	[tilespmem:s11+$0xFFFFFFC0] =	vst v38;
	v63 =	vmul.f32 v34, v17;
	v46 =	vadd.f32 v56, v1;
	v45 =	vadd.f32 v60, v2  }
0x9f: {  	[tilespmem:s11+$0xFFFFFFD0] =	vst v41;
	v52 =	vadd.f32 v47, v3;
	v53 =	vadd.f32 v48, v4;
	v54 =	vmul.f32 v34, v18  }
0xa0: {  	[tilespmem:s11+$0xFFFFFFE0] =	vst v40;
	v55 =	vadd.f32 v49, v5;
	v33 =	vadd.f32 v33, v6;
	v56 =	vmul.f32 v34, v19  }
0xa1: {  	[tilespmem:s11+$0xFFFFFFF0] =	vst v37;
	v47 =	vmul.f32 v32, v28;
	v39 =	vadd.f32 v58, v57;
	v57 =	vmul.f32 v34, v20  }
0xa2: {  	[tilespmem:s11+$0x0] =	vst v42;
	v38 =	vadd.f32 v62, v59;
	v59 =	vmul.f32 v32, v24;
	v60 =	vadd.f32 v63, v46  }
0xa3: {  	[tilespmem:s11+$0x10] =	vst v36;
	v62 =	vadd.f32 v54, v45;
	v63 =	vmul.f32 v32, v26;
	v39 =	vadd.f32 v61, v39  }
0xa4: {  	s7 =	sadd.s32 $0x80, s11;
	[tilespmem:s11+$0x20] =	vst v35;
	v37 =	vadd.f32 v56, v52;
	v46 =	vmul.f32 v32, v27;
	v38 =	vadd.f32 v59, v38  }
0xa5: {  	v58 =	vmul.f32 v34, v21;
	v61 =	vmul.f32 v32, v25;
	v35 =	vadd.f32 v63, v62;
	[tilespmem:s7+$0x30] =	vst v39  }
0xa6: {  	v34 =	vmul.f32 v34, v22;
	v40 =	vadd.f32 v57, v53;
	v50 =	vadd.f32 v46, v37;
	[tilespmem:s7+$0xFFFFFFC0] =	vst v38  }
0xa7: {  	v49 =	vmul.f32 v32, v29;
	v48 =	vadd.f32 v58, v55;
	v36 =	vadd.f32 v61, v60;
	[tilespmem:s7+$0xFFFFFFE0] =	vst v35  }
0xa8: {  	v33 =	vadd.f32 v34, v33;
	v32 =	vmul.f32 v32, v30;
	v51 =	vadd.f32 v47, v40;
	[tilespmem:s7+$0xFFFFFFF0] =	vst v50  }
0xa9: {  	v52 =	vadd.f32 v49, v48;
	[tilespmem:s7+$0xFFFFFFD0] =	vst v36  }
0xaa: {  	s10 =	sor.u32 $0x10, s10;
	v32 =	vadd.f32 v32, v33;
	[tilespmem:s7+$0x0] =	vst v51  }
0xab: {  	s10 =	sand.u32 $0x70, s10;
	[tilespmem:s7+$0x10] =	vst v52  }
0xac: {  	s11 =	sor.u32 s9, s10;
	[tilespmem:s7+$0x20] =	vst v32  }
0xad: {  	v34 =	vld [tilespmem:s11+$0x400]  }
0xae: {  	v32 =	vld [tilespmem:s11+$0x200]  }
0xaf: {  	v35 =	vld [tilespmem:s11+$0x600]  }
0xb0: {  	s12 =	simm.s32 $0x0  }
0xb1: {  	v53 =	vmov s12  }
0xb2: {  	v54 =	vand.u32 $0xF, v53;
	v34 =	vmul.f32 $3.333333320e-06, v34  }
0xb3: {  	v36 =	vbroadcast v54, $0x0;
	v33 =	vcvt.s32.f32 v32  }
0xb4: {  	v35 =	vmul.f32 $1.157407410e-05, v35;
	v55 =	vmax.f32 v34, $0.0e+00  }
0xb5: {  	v56 =	vperm.xlane v33, v36;
	v34 =	vmin.f32 v55, $1.000000000e+00  }
0xb6: {  	v57 =	vmax.f32 v35, $0.0e+00;
	v40 =	vperm.xlane v34, v36  }
0xb7: {  	v32 =	vmin.f32 v57, $1.000000000e+00;
	v58 =	vmul.f32 v56, v15;
	v59 =	vmul.f32 v56, v8  }
0xb8: {  	v60 =	vmul.f32 v56, v9;
	v35 =	vperm.xlane v32, v36  }
0xb9: {  	s13 =	simm.s32 $0x1;
	v51 =	vmul.f32 v56, v10;
	v52 =	vmul.f32 v56, v11  }
0xba: {  	v45 =	vmov s13;
	v53 =	vmul.f32 v56, v12;
	v55 =	vmul.f32 v56, v13  }
0xbb: {  	v37 =	vmul.f32 v56, v14;
	v61 =	vadd.f32 v58, v7;
	v62 =	vmul.f32 v40, v23  }
0xbc: {  	v63 =	vadd.f32 v59, v0;
	v54 =	vmul.f32 v35, v31;
	v41 =	vadd.f32 v60, v1  }
0xbd: {  	v56 =	vmul.f32 v40, v16;
	v57 =	vadd.f32 v51, v2;
	v59 =	vadd.f32 v52, v3  }
0xbe: {  	v58 =	vmul.f32 v40, v17;
	v50 =	vadd.f32 v53, v4;
	v51 =	vadd.f32 v55, v5  }
0xbf: {  	v60 =	vmul.f32 v40, v18;
	v39 =	vadd.f32 v37, v6;
	v36 =	vadd.f32 v62, v61  }
0xc0: {  	v38 =	vadd.f32 v56, v63;
	v61 =	vmul.f32 v40, v19;
	v62 =	vmul.f32 v40, v20  }
0xc1: {  	v41 =	vadd.f32 v58, v41;
	v63 =	vmul.f32 v40, v21;
	v36 =	vadd.f32 v54, v36  }
0xc2: {  	v44 =	vmul.f32 v40, v22;
	v40 =	vadd.f32 v60, v57;
	v37 =	vadd.f32 v61, v59  }
0xc3: {  	s10 =	simm.s32 $0x2;
	s9 =	smov.u32 s25;
	v43 =	vmul.f32 v35, v24;
	v42 =	vadd.f32 v62, v50;
	[tilespmem:s25+$0x0] =	vst v36;
	v36 =	vadd.f32 v63, v51  }
.LBB2_6:
0xc4: {  	p0 =	sne.s32 s10, $0xF;
	v45 =	vand.u32 $0xF, v45;
	v46 =	vmul.f32 v35, v25;
	v39 =	vadd.f32 v44, v39  }
0xc5: {  	v38 =	vadd.f32 v43, v38;
	v43 =	vmul.f32 v35, v26;
	v44 =	vbroadcast v45, $0x0  }
0xc6: {  	v45 =	vmul.f32 v35, v27;
	v41 =	vadd.f32 v46, v41;
	v46 =	vmul.f32 v35, v28  }
0xc7: {  	v47 =	vperm.xlane v33, v44;
	[tilespmem:s9+$0xFFFFFF90] =	vst v38;
	v38 =	vadd.f32 v43, v40;
	v40 =	vmul.f32 v35, v29  }
0xc8: {  	v37 =	vadd.f32 v45, v37;
	v35 =	vmul.f32 v35, v30;
	[tilespmem:s9+$0xFFFFFFA0] =	vst v41;
	v41 =	vadd.f32 v46, v42  }
0xc9: {  	v42 =	vperm.xlane v34, v44;
	v43 =	vmul.f32 v47, v15;
	[tilespmem:s9+$0xFFFFFFB0] =	vst v38;
	v36 =	vadd.f32 v40, v36  }
0xca: {  	v38 =	vmul.f32 v47, v8;
	v40 =	vmul.f32 v47, v9;
	[tilespmem:s9+$0xFFFFFFC0] =	vst v37;
	v37 =	vadd.f32 v35, v39  }
0xcb: {  	v35 =	vperm.xlane v32, v44;
	v39 =	vadd.f32 v43, v7;
	v43 =	vmul.f32 v42, v23;
	[tilespmem:s9+$0xFFFFFFD0] =	vst v41  }
0xcc: {  	v44 =	vmul.f32 v47, v11;
	v38 =	vadd.f32 v38, v0;
	v41 =	vmul.f32 v47, v10;
	[tilespmem:s9+$0xFFFFFFE0] =	vst v36  }
0xcd: {  	v36 =	vmul.f32 v47, v12;
	v39 =	vadd.f32 v43, v39;
	v43 =	vmul.f32 v35, v31;
	[tilespmem:s9+$0xFFFFFFF0] =	vst v37  }
0xce: {  	v45 =	vmul.f32 v47, v14;
	v37 =	vadd.f32 v40, v1;
	v40 =	vmul.f32 v47, v13  }
0xcf: {  	v46 =	vmul.f32 v42, v16;
	v47 =	vadd.f32 v41, v2;
	v41 =	vadd.f32 v43, v39  }
0xd0: {  	v48 =	vadd.f32 v44, v3;
	s9 =	sadd.s32 $0x80, s9;
	v36 =	vadd.f32 v36, v4;
	v43 =	vmul.f32 v42, v17  }
.Ltmp3:
0xd1: {  	v49 =	vmul.f32 v42, v18;
	v50 =	vadd.f32 v40, v5;
	v39 =	vadd.f32 v45, v6;
	[tilespmem:s9+$0x0] =	vst v41;
	(pc) =	sbr.rel @p0 .LBB2_6-.Ltmp3, $4  }
0xd2: {  	v38 =	vadd.f32 v46, v38;
	v46 =	vmul.f32 v42, v20;
	v45 =	vmul.f32 v42, v19  }
0xd3: {  	v51 =	vmul.f32 v42, v21;
	v44 =	vmul.f32 v42, v22;
	v41 =	vadd.f32 v43, v37  }
0xd4: {  	v40 =	vadd.f32 v49, v47;
	v43 =	vmul.f32 v35, v24;
	v37 =	vadd.f32 v45, v48  }
0xd5: {  	v42 =	vadd.f32 v46, v36;
	v45 =	vmov s10;
	s10 =	sadd.s32 $0x1, s10;
	v36 =	vadd.f32 v51, v50  }
0xd6: {  	v45 =	vand.u32 $0xF, v45;
	v46 =	vmul.f32 v35, v25;
	v61 =	vmul.f32 v35, v26  }
0xd7: {  	v62 =	vmul.f32 v35, v27;
	v60 =	vbroadcast v45, $0x0  }
0xd8: {  	v39 =	vadd.f32 v44, v39;
	v63 =	vmul.f32 v35, v28;
	v48 =	vmul.f32 v35, v29  }
0xd9: {  	v38 =	vadd.f32 v43, v38;
	v49 =	vmul.f32 v35, v30;
	v33 =	vperm.xlane v33, v60  }
0xda: {  	v41 =	vadd.f32 v46, v41;
	v34 =	vperm.xlane v34, v60;
	v32 =	vperm.xlane v32, v60  }
0xdb: {  	v40 =	vadd.f32 v61, v40;
	v50 =	vmul.f32 v33, v15;
	v51 =	vmul.f32 v33, v8  }
0xdc: {  	v37 =	vadd.f32 v62, v37;
	v52 =	vmul.f32 v33, v9;
	v54 =	vmul.f32 v34, v23  }
0xdd: {  	v42 =	vadd.f32 v63, v42;
	v56 =	vmul.f32 v33, v10;
	v47 =	vmul.f32 v33, v11  }
0xde: {  	v36 =	vadd.f32 v48, v36;
	v48 =	vmul.f32 v33, v12;
	v57 =	vmul.f32 v32, v31  }
0xdf: {  	v35 =	vadd.f32 v49, v39;
	v49 =	vmul.f32 v33, v13;
	v33 =	vmul.f32 v33, v14  }
0xe0: {  	v58 =	vmul.f32 v34, v16;
	v53 =	vadd.f32 v50, v7;
	v55 =	vadd.f32 v51, v0  }
0xe1: {  	[tilespmem:s9+$0xFFFFFF90] =	vst v38;
	v59 =	vmul.f32 v34, v17;
	v46 =	vadd.f32 v52, v1;
	v45 =	vadd.f32 v56, v2  }
0xe2: {  	[tilespmem:s9+$0xFFFFFFA0] =	vst v41;
	v62 =	vmul.f32 v34, v18;
	v60 =	vadd.f32 v47, v3;
	v61 =	vadd.f32 v48, v4  }
0xe3: {  	[tilespmem:s9+$0xFFFFFFB0] =	vst v40;
	v63 =	vadd.f32 v49, v5;
	v33 =	vadd.f32 v33, v6;
	v50 =	vmul.f32 v34, v19  }
0xe4: {  	[tilespmem:s9+$0xFFFFFFC0] =	vst v37;
	v51 =	vmul.f32 v34, v20;
	v52 =	vmul.f32 v32, v24;
	v39 =	vadd.f32 v54, v53  }
0xe5: {  	[tilespmem:s9+$0xFFFFFFD0] =	vst v42;
	v56 =	vmul.f32 v32, v26;
	v49 =	vadd.f32 v58, v55;
	v41 =	vadd.f32 v59, v46  }
0xe6: {  	[tilespmem:s9+$0xFFFFFFE0] =	vst v36;
	v53 =	vmul.f32 v34, v21;
	v54 =	vmul.f32 v32, v25;
	v39 =	vadd.f32 v57, v39  }
0xe7: {  	s7 =	sadd.s32 $0x80, s9;
	[tilespmem:s9+$0xFFFFFFF0] =	vst v35;
	v45 =	vadd.f32 v62, v45;
	v34 =	vmul.f32 v34, v22;
	v55 =	vadd.f32 v52, v49  }
0xe8: {  	v38 =	vadd.f32 v50, v60;
	v58 =	vmul.f32 v32, v27;
	v57 =	vadd.f32 v54, v41;
	[tilespmem:s7+$0x0] =	vst v39  }
0xe9: {  	v40 =	vadd.f32 v51, v61;
	v59 =	vmul.f32 v32, v28;
	v60 =	vadd.f32 v56, v45;
	[tilespmem:s7+$0xFFFFFF90] =	vst v55  }
0xea: {  	p0 =	slt.u32 s26, $0xE;
	v61 =	vmul.f32 v32, v29;
	v36 =	vadd.f32 v53, v63;
	v38 =	vadd.f32 v58, v38;
	[tilespmem:s7+$0xFFFFFFA0] =	vst v57  }
.Ltmp4:
0xeb: {  	v32 =	vmul.f32 v32, v30;
	v33 =	vadd.f32 v34, v33;
	v62 =	vadd.f32 v59, v40;
	[tilespmem:s7+$0xFFFFFFB0] =	vst v60;
	(pc) =	sbr.rel @p0 .LBB2_3-.Ltmp4, $4  }
0xec: {  	v63 =	vadd.f32 v61, v36;
	[tilespmem:s7+$0xFFFFFFC0] =	vst v38  }
0xed: {  	v32 =	vadd.f32 v32, v33;
	[tilespmem:s7+$0xFFFFFFD0] =	vst v62  }
0xee: {  	[tilespmem:s7+$0xFFFFFFE0] =	vst v63  }
0xef: {  	s26 =	sadd.s32 $0x2, s26;
	s19 =	sadd.s32 $0x1000, s19;
	s25 =	sadd.s32 $0x1000, s25;
	[tilespmem:s7+$0xFFFFFFF0] =	vst v32  }
0xf0: {  	s7 =	sshll.u32 s18, $0x10  }
0xf1: {  	s7 =	sadd.s32 s14, s7  }
0xf2: {  	s7 =	sshrl.u32 s7, $0x3  }
0xf3: {  	p0 =	seq.s32 s18, $0xC7;
	s7 =	sadd.s32 s2, s7  }
0xf4: {  	[hbm4b:s7+s3] =	stream.linear.scatter [tilespmem:s22], [sflag:$0x3], $0x8000, $0x38;
	[tilespmem:$0x10800] =	vst v63  }
0xf5: {  	s7 =	sadd.s32 @!p0 s21, s15  }
0xf6: {  	s7 =	sshrl.u32 @!p0 s7, $0x3  }
0xf7: {  	s9 =	simm.s32 @!p0 $0x0;
	s10 =	simm.s32 @!p0 $0x200;
	s8 =	sadd.s32 @!p0 s4, s7  }
0xf8: {  	[tilespmem:s10], [sflag:$0x1] =	stream.linear.gather @!p0 [hbm4b:s8+s9], $0x80, $0x38;
	[tilespmem:$0x10800] =	vst v63  }
0xf9: {  	s8 =	sadd.s32 @!p0 $0x10, s8;
	s10 =	simm.s32 @!p0 $0x300  }
0xfa: {  	[tilespmem:s10], [sflag:$0x1] =	stream.linear.gather @!p0 [hbm4b:s8+s9], $0x80, $0x38;
	[tilespmem:$0x10800] =	vst v63  }
0xfb: {  	s8 =	sadd.s32 @!p0 s5, s7;
	s10 =	simm.s32 @!p0 $0x400  }
0xfc: {  	[tilespmem:s10], [sflag:$0x1] =	stream.linear.gather @!p0 [hbm4b:s8+s9], $0x80, $0x38;
	[tilespmem:$0x10800] =	vst v63  }
0xfd: {  	s8 =	sadd.s32 @!p0 $0x10, s8;
	s10 =	simm.s32 @!p0 $0x500  }
0xfe: {  	[tilespmem:s10], [sflag:$0x1] =	stream.linear.gather @!p0 [hbm4b:s8+s9], $0x80, $0x38;
	[tilespmem:$0x10800] =	vst v63  }
0xff: {  	s7 =	sadd.s32 @!p0 s6, s7;
	s8 =	simm.s32 @!p0 $0x600  }
0x100: {  	[tilespmem:s8], [sflag:$0x1] =	stream.linear.gather @!p0 [hbm4b:s7+s9], $0x80, $0x38;
	[tilespmem:$0x10800] =	vst v63  }
0x101: {  	s7 =	sadd.s32 @!p0 $0x10, s7;
	s8 =	simm.s32 @!p0 $0x700  }
0x102: {  	[tilespmem:s8], [sflag:$0x1] =	stream.linear.gather @!p0 [hbm4b:s7+s9], $0x80, $0x38;
	[tilespmem:$0x10800] =	vst v63  }
0x103: {  	_ =	swait.ge [sflag:s23], $0x100  }
0x104: {  	[sflag:s23] =	ssyncset.done $0x0  }
0x105: {  	[sflag:s23] =	ssyncadd.s32 $0xFFFFFF00  }
0x106: {  	_ =	swait.ge [sflag:s23], $0x100  }
0x107: {  	[sflag:s23] =	ssyncset.done $0x0  }
0x108: {  	[sflag:s23] =	ssyncadd.s32 $0xFFFFFF00  }
0x109: {  	_ =	swait.ge [sflag:s23], $0x100  }
0x10a: {  	[sflag:s23] =	ssyncset.done $0x0  }
0x10b: {  	s7 =	simm.s32 @!p1 $0x4;
	[sflag:s23] =	ssyncadd.s32 $0xFFFFFF00  }
0x10c: {  	_ =	swait.ge @!p1 [sflag:s7], $0x8000  }
0x10d: {  	s19 =	simm.s32 $0x0;
	s25 =	simm.s32 $0x800;
	[sflag:s7] =	ssyncset.done @!p1 $0x0  }
0x10e: {  	s26 =	simm.s32 $0x0;
	s8 =	sadd.s32 s21, s16;
	[sflag:s7] =	ssyncadd.s32 @!p1 $0xFFFF8000  }
.LBB2_9:
0x10f: {  	s7 =	sshll.u32 s26, $0x5  }
0x110: {  	s9 =	sshll.u32 s26, $0x4;
	s7 =	sand.u32 $0x100, s7  }
0x111: {  	s9 =	sor.u32 s9, s7  }
0x112: {  	s7 =	sor.u32 $0x80, s9  }
0x113: {  	v32 =	vld [tilespmem:s7+$0x400]  }
0x114: {  	v33 =	vld [tilespmem:s7+$0x200]  }
0x115: {  	v34 =	vld [tilespmem:s7+$0x600];
	_ =	sdelay $0x1  }
0x116: {  	v35 =	vmov s19  }
0x117: {  	v36 =	vand.u32 $0xF, v35  }
0x118: {  	v60 =	vbroadcast v36, $0x0;
	v32 =	vmul.f32 $3.333333320e-06, v32  }
0x119: {  	v35 =	vcvt.s32.f32 v33;
	v34 =	vmul.f32 $1.157407410e-05, v34  }
0x11a: {  	v32 =	vmax.f32 v32, $0.0e+00  }
0x11b: {  	v38 =	vperm.xlane v35, v60;
	v61 =	vmax.f32 v34, $0.0e+00;
	v36 =	vmin.f32 v32, $1.000000000e+00  }
0x11c: {  	v37 =	vmin.f32 v61, $1.000000000e+00;
	v42 =	vperm.xlane v36, v60  }
0x11d: {  	v62 =	vmul.f32 v38, v8;
	v39 =	vperm.xlane v37, v60  }
0x11e: {  	v44 =	vmul.f32 v38, v11;
	v45 =	vmul.f32 v38, v14  }
0x11f: {  	s12 =	simm.s32 $0x1;
	v48 =	vmul.f32 v38, v13;
	v63 =	vmul.f32 v38, v12  }
0x120: {  	v54 =	vmov s12;
	v53 =	vmul.f32 v38, v9;
	v55 =	vmul.f32 v38, v15  }
0x121: {  	v32 =	vmov s25;
	v34 =	vmul.f32 v42, v22;
	v40 =	vmul.f32 v42, v17  }
0x122: {  	v41 =	vadd.f32 v62, v0;
	v43 =	vmul.f32 v42, v16;
	v33 =	vmul.f32 v39, v30  }
0x123: {  	v46 =	vmul.f32 v39, v24;
	v49 =	vmul.f32 v42, v21;
	v50 =	vadd.f32 v48, v5  }
0x124: {  	v44 =	vadd.f32 v44, v3;
	v47 =	vmul.f32 v42, v19;
	v41 =	vadd.f32 v43, v41  }
0x125: {  	v51 =	vmul.f32 v42, v20;
	v48 =	vmul.f32 v39, v28;
	v49 =	vadd.f32 v49, v50  }
0x126: {  	v52 =	vmul.f32 v39, v29;
	v46 =	vadd.f32 v46, v41;
	v41 =	vadd.f32 v63, v4  }
0x127: {  	v43 =	vmul.f32 v39, v25;
	v47 =	vadd.f32 v47, v44;
	v44 =	vmul.f32 v39, v26  }
0x128: {  	v50 =	vmul.f32 v39, v27;
	v51 =	vadd.f32 v51, v41;
	v41 =	vadd.f32 v52, v49  }
0x129: {  	s11 =	simm.s32 $0x0;
	s10 =	simm.s32 $0x80;
	s13 =	simm.s32 $0x400;
	v52 =	vmul.f32 v42, v23;
	v49 =	vadd.f32 v53, v1;
	v53 =	vadd.f32 v55, v7  }
.LBB2_10:
0x12a: {  	s7 =	sshra.s32 s13, $0x2;
	p1 =	sne.s32 s13, $0x1E00;
	s13 =	sadd.s32 $0x200, s13;
	v54 =	vand.u32 $0xF, v54;
	v55 =	vmul.f32 v42, v18;
	v48 =	vadd.f32 v48, v51  }
0x12b: {  	v47 =	vadd.f32 v50, v47;
	v51 =	vbroadcast v54, $0x0;
	[tilespmem:v32+s11+$0x8000 ss:$0x1] =	vst.idx.msk $0xffff, v46;
	v46 =	vadd.f32 v52, v53  }
0x12c: {  	v50 =	vmul.f32 v38, v10;
	v52 =	vadd.f32 v45, v6;
	v45 =	vmul.f32 v39, v31  }
0x12d: {  	v40 =	vadd.f32 v40, v49;
	v38 =	vperm.xlane v35, v51;
	v42 =	vperm.xlane v36, v51  }
0x12e: {  	v49 =	vadd.f32 v50, v2;
	v39 =	vperm.xlane v37, v51;
	v56 =	vadd.f32 v45, v46  }
0x12f: {  	v43 =	vadd.f32 v43, v40;
	v45 =	vmul.f32 v38, v8;
	v46 =	vmul.f32 v42, v22  }
0x130: {  	v49 =	vadd.f32 v55, v49;
	v40 =	vmul.f32 v42, v17;
	v50 =	vmul.f32 v39, v30  }
0x131: {  	v53 =	vmul.f32 v42, v16;
	v51 =	vadd.f32 v45, v0;
	[tilespmem:v32+s11+$0x8010 ss:$0x1] =	vst.idx.msk $0xffff, v43  }
0x132: {  	v54 =	vmul.f32 v38, v11;
	v44 =	vadd.f32 v44, v49;
	v45 =	vmul.f32 v38, v14  }
0x133: {  	v52 =	vadd.f32 v34, v52;
	v34 =	vmovc v46;
	v49 =	vadd.f32 v53, v51;
	v51 =	vmul.f32 v39, v24  }
0x134: {  	v43 =	vmul.f32 v39, v25;
	v53 =	vadd.f32 v54, v3;
	[tilespmem:v32+s11+$0x8020 ss:$0x1] =	vst.idx.msk $0xffff, v44  }
0x135: {  	v44 =	vmul.f32 v42, v19;
	v46 =	vadd.f32 v51, v49;
	[tilespmem:v32+s11+$0x8030 ss:$0x1] =	vst.idx.msk $0xffff, v47  }
0x136: {  	v49 =	vmul.f32 v38, v13;
	v51 =	vmul.f32 v42, v21;
	[tilespmem:v32+s11+$0x8040 ss:$0x1] =	vst.idx.msk $0xffff, v48  }
0x137: {  	v47 =	vadd.f32 v44, v53;
	v48 =	vmul.f32 v38, v12;
	v53 =	vmul.f32 v42, v20  }
0x138: {  	v44 =	vmul.f32 v39, v26;
	v49 =	vadd.f32 v49, v5;
	[tilespmem:v32+s11+$0x8050 ss:$0x1] =	vst.idx.msk $0xffff, v41  }
.Ltmp5:
0x139: {  	v52 =	vadd.f32 v33, v52;
	v33 =	vmovc v50;
	v41 =	vadd.f32 v48, v4;
	v48 =	vmul.f32 v39, v28;
	(pc) =	sbr.rel @p1 .LBB2_10-.Ltmp5, $4  }
0x13a: {  	v55 =	vmul.f32 v38, v9;
	v54 =	vmul.f32 v39, v29;
	v49 =	vadd.f32 v51, v49  }
0x13b: {  	v51 =	vadd.f32 v53, v41;
	v53 =	vmul.f32 v38, v15;
	[tilespmem:v32+s11+$0x8060 ss:$0x1] =	vst.idx.msk $0xffff, v52  }
0x13c: {  	s12 =	sadd.s32 $0x1, s12;
	v50 =	vmul.f32 v39, v27;
	v41 =	vadd.f32 v54, v49;
	v52 =	vmul.f32 v42, v23  }
0x13d: {  	v54 =	vmov s12;
	v49 =	vadd.f32 v55, v1;
	v53 =	vadd.f32 v53, v7;
	[tilespmem:v32+s11+$0x8070 ss:$0x1] =	vst.idx.msk $0xffff, v56;
	s11 =	smov.u32 s10;
	s10 =	smov.u32 s7  }
0x13e: {  	_ =	sdelay $0x2  }
0x13f: {  	v54 =	vand.u32 $0xF, v54;
	v42 =	vmul.f32 v42, v18  }
0x140: {  	v48 =	vadd.f32 v48, v51;
	[tilespmem:v32+s11+$0x8000 ss:$0x1] =	vst.idx.msk $0xffff, v46;
	v60 =	vadd.f32 v50, v47;
	v59 =	vbroadcast v54, $0x0  }
0x141: {  	v38 =	vmul.f32 v38, v10;
	v39 =	vmul.f32 v39, v31;
	v45 =	vadd.f32 v45, v6  }
0x142: {  	v61 =	vadd.f32 v52, v53;
	v35 =	vperm.xlane v35, v59;
	v36 =	vperm.xlane v36, v59  }
0x143: {  	v40 =	vadd.f32 v40, v49;
	v38 =	vadd.f32 v38, v2;
	v37 =	vperm.xlane v37, v59  }
0x144: {  	v34 =	vadd.f32 v34, v45;
	v62 =	vmul.f32 v35, v8;
	v49 =	vmul.f32 v36, v22  }
0x145: {  	v40 =	vadd.f32 v43, v40;
	v43 =	vmul.f32 v36, v17;
	v50 =	vmul.f32 v37, v30  }
0x146: {  	v39 =	vadd.f32 v39, v61;
	v54 =	vmul.f32 v36, v16;
	v55 =	vmul.f32 v35, v11  }
0x147: {  	v38 =	vadd.f32 v42, v38;
	v51 =	vmul.f32 v35, v14;
	v56 =	vmul.f32 v37, v24  }
0x148: {  	v33 =	vadd.f32 v33, v34;
	v45 =	vmul.f32 v37, v25;
	v57 =	vmul.f32 v36, v19  }
0x149: {  	[tilespmem:v32+s11+$0x8010 ss:$0x1] =	vst.idx.msk $0xffff, v40;
	v58 =	vmul.f32 v35, v13;
	v59 =	vmul.f32 v36, v21  }
0x14a: {  	v61 =	vmul.f32 v36, v20;
	v38 =	vadd.f32 v44, v38;
	v63 =	vadd.f32 v62, v0  }
0x14b: {  	v52 =	vmul.f32 v37, v28;
	v40 =	vadd.f32 v55, v3;
	v44 =	vadd.f32 v58, v5  }
0x14c: {  	v58 =	vmul.f32 v36, v18;
	v36 =	vmul.f32 v36, v23;
	[tilespmem:v32+s11+$0x8020 ss:$0x1] =	vst.idx.msk $0xffff, v38  }
0x14d: {  	v42 =	vadd.f32 v54, v63;
	[tilespmem:v32+s11+$0x8030 ss:$0x1] =	vst.idx.msk $0xffff, v60;
	v40 =	vadd.f32 v57, v40  }
0x14e: {  	v60 =	vmul.f32 v35, v12;
	v63 =	vmul.f32 v35, v9;
	v44 =	vadd.f32 v59, v44  }
0x14f: {  	v57 =	vmul.f32 v37, v29;
	v38 =	vadd.f32 v56, v42;
	v56 =	vmul.f32 v35, v10  }
0x150: {  	[tilespmem:v32+s11+$0x8040 ss:$0x1] =	vst.idx.msk $0xffff, v48;
	v48 =	vmul.f32 v37, v26;
	v42 =	vadd.f32 v63, v1  }
0x151: {  	[tilespmem:v32+s11+$0x8050 ss:$0x1] =	vst.idx.msk $0xffff, v41;
	v62 =	vadd.f32 v60, v4;
	v34 =	vadd.f32 v56, v2  }
0x152: {  	v35 =	vmul.f32 v35, v15;
	v60 =	vmul.f32 v37, v27;
	v59 =	vadd.f32 v43, v42  }
0x153: {  	[tilespmem:v32+s11+$0x8060 ss:$0x1] =	vst.idx.msk $0xffff, v33;
	v41 =	vadd.f32 v61, v62;
	v34 =	vadd.f32 v58, v34  }
0x154: {  	v61 =	vadd.f32 v57, v44;
	[tilespmem:v32+s11+$0x8070 ss:$0x1] =	vst.idx.msk $0xffff, v39;
	v33 =	vadd.f32 v45, v59  }
0x155: {  	v62 =	vadd.f32 v51, v6;
	[tilespmem:v32+s10+$0x8000 ss:$0x1] =	vst.idx.msk $0xffff, v38;
	v34 =	vadd.f32 v48, v34  }
0x156: {  	v35 =	vadd.f32 v35, v7;
	v63 =	vadd.f32 v60, v40;
	[tilespmem:v32+s10+$0x8010 ss:$0x1] =	vst.idx.msk $0xffff, v33  }
0x157: {  	v40 =	vadd.f32 v52, v41;
	v38 =	vadd.f32 v49, v62;
	[tilespmem:v32+s10+$0x8020 ss:$0x1] =	vst.idx.msk $0xffff, v34  }
0x158: {  	v42 =	vmul.f32 v37, v31;
	v41 =	vadd.f32 v36, v35;
	[tilespmem:v32+s10+$0x8030 ss:$0x1] =	vst.idx.msk $0xffff, v63  }
0x159: {  	v44 =	vadd.f32 v50, v38;
	[tilespmem:v32+s10+$0x8040 ss:$0x1] =	vst.idx.msk $0xffff, v40  }
0x15a: {  	v34 =	vadd.f32 v42, v41;
	[tilespmem:v32+s10+$0x8050 ss:$0x1] =	vst.idx.msk $0xffff, v61  }
0x15b: {  	[tilespmem:v32+s10+$0x8060 ss:$0x1] =	vst.idx.msk $0xffff, v44  }
0x15c: {  	s7 =	sor.u32 $0x90, s9;
	[tilespmem:v32+s10+$0x8070 ss:$0x1] =	vst.idx.msk $0xffff, v34  }
0x15d: {  	v33 =	vld [tilespmem:s7+$0x400]  }
0x15e: {  	v34 =	vld [tilespmem:s7+$0x200]  }
0x15f: {  	v45 =	vld [tilespmem:s7+$0x600]  }
0x160: {  	s13 =	simm.s32 $0x0  }
0x161: {  	v46 =	vmov s13  }
0x162: {  	v47 =	vand.u32 $0xF, v46  }
0x163: {  	v48 =	vbroadcast v47, $0x0;
	v33 =	vmul.f32 $3.333333320e-06, v33  }
0x164: {  	v35 =	vcvt.s32.f32 v34;
	v49 =	vmul.f32 $1.157407410e-05, v45  }
0x165: {  	v33 =	vmax.f32 v33, $0.0e+00  }
0x166: {  	v38 =	vperm.xlane v35, v48;
	v50 =	vmax.f32 v49, $0.0e+00;
	v36 =	vmin.f32 v33, $1.000000000e+00  }
0x167: {  	v37 =	vmin.f32 v50, $1.000000000e+00;
	v42 =	vperm.xlane v36, v48  }
0x168: {  	v51 =	vmul.f32 v38, v8;
	v39 =	vperm.xlane v37, v48  }
0x169: {  	v54 =	vmul.f32 v38, v11;
	v45 =	vmul.f32 v38, v14  }
0x16a: {  	v57 =	vmul.f32 v38, v13;
	v58 =	vmul.f32 v38, v12  }
0x16b: {  	v63 =	vmul.f32 v38, v9;
	v34 =	vmul.f32 v42, v22  }
0x16c: {  	v40 =	vmul.f32 v42, v17;
	v52 =	vadd.f32 v51, v0;
	v53 =	vmul.f32 v42, v16  }
0x16d: {  	v33 =	vmul.f32 v39, v30;
	v55 =	vmul.f32 v39, v24;
	v44 =	vadd.f32 v54, v3  }
0x16e: {  	v56 =	vmul.f32 v42, v19;
	v59 =	vmul.f32 v42, v21;
	v60 =	vadd.f32 v57, v5  }
0x16f: {  	v43 =	vmul.f32 v39, v25;
	v61 =	vmul.f32 v42, v20;
	v41 =	vadd.f32 v53, v52  }
0x170: {  	v48 =	vmul.f32 v39, v28;
	v62 =	vmul.f32 v39, v29;
	v49 =	vadd.f32 v59, v60  }
0x171: {  	s11 =	simm.s32 $0x1;
	v50 =	vmul.f32 v39, v27;
	v46 =	vadd.f32 v55, v41;
	v41 =	vadd.f32 v58, v4  }
0x172: {  	v54 =	vmov s11;
	v47 =	vadd.f32 v56, v44;
	v55 =	vmul.f32 v38, v15  }
0x173: {  	v44 =	vmul.f32 v39, v26;
	v51 =	vadd.f32 v61, v41;
	v41 =	vadd.f32 v62, v49  }
0x174: {  	s9 =	simm.s32 $0x80;
	s12 =	simm.s32 $0x400;
	s10 =	simm.s32 $0x0;
	v52 =	vmul.f32 v42, v23;
	v49 =	vadd.f32 v63, v1;
	v53 =	vadd.f32 v55, v7  }
.LBB2_12:
0x175: {  	s7 =	sshra.s32 s12, $0x2;
	p1 =	sne.s32 s12, $0x1E00;
	s12 =	sadd.s32 $0x200, s12;
	v54 =	vand.u32 $0xF, v54;
	v55 =	vmul.f32 v42, v18;
	v48 =	vadd.f32 v48, v51  }
0x176: {  	v47 =	vadd.f32 v50, v47;
	v51 =	vbroadcast v54, $0x0;
	[tilespmem:v32+s10+$0x8800 ss:$0x1] =	vst.idx.msk $0xffff, v46;
	v46 =	vadd.f32 v52, v53  }
0x177: {  	v50 =	vmul.f32 v38, v10;
	v52 =	vadd.f32 v45, v6;
	v45 =	vmul.f32 v39, v31  }
0x178: {  	v40 =	vadd.f32 v40, v49;
	v38 =	vperm.xlane v35, v51;
	v42 =	vperm.xlane v36, v51  }
0x179: {  	v49 =	vadd.f32 v50, v2;
	v39 =	vperm.xlane v37, v51;
	v56 =	vadd.f32 v45, v46  }
0x17a: {  	v43 =	vadd.f32 v43, v40;
	v45 =	vmul.f32 v38, v8;
	v46 =	vmul.f32 v42, v22  }
0x17b: {  	v49 =	vadd.f32 v55, v49;
	v40 =	vmul.f32 v42, v17;
	v50 =	vmul.f32 v39, v30  }
0x17c: {  	v53 =	vmul.f32 v42, v16;
	v51 =	vadd.f32 v45, v0;
	[tilespmem:v32+s10+$0x8810 ss:$0x1] =	vst.idx.msk $0xffff, v43  }
0x17d: {  	v54 =	vmul.f32 v38, v11;
	v44 =	vadd.f32 v44, v49;
	v45 =	vmul.f32 v38, v14  }
0x17e: {  	v52 =	vadd.f32 v34, v52;
	v34 =	vmovc v46;
	v49 =	vadd.f32 v53, v51;
	v51 =	vmul.f32 v39, v24  }
0x17f: {  	v43 =	vmul.f32 v39, v25;
	v53 =	vadd.f32 v54, v3;
	[tilespmem:v32+s10+$0x8820 ss:$0x1] =	vst.idx.msk $0xffff, v44  }
0x180: {  	v44 =	vmul.f32 v42, v19;
	v46 =	vadd.f32 v51, v49;
	[tilespmem:v32+s10+$0x8830 ss:$0x1] =	vst.idx.msk $0xffff, v47  }
0x181: {  	v49 =	vmul.f32 v38, v13;
	v51 =	vmul.f32 v42, v21;
	[tilespmem:v32+s10+$0x8840 ss:$0x1] =	vst.idx.msk $0xffff, v48  }
0x182: {  	v47 =	vadd.f32 v44, v53;
	v48 =	vmul.f32 v38, v12;
	v53 =	vmul.f32 v42, v20  }
0x183: {  	v44 =	vmul.f32 v39, v26;
	v49 =	vadd.f32 v49, v5;
	[tilespmem:v32+s10+$0x8850 ss:$0x1] =	vst.idx.msk $0xffff, v41  }
.Ltmp6:
0x184: {  	v52 =	vadd.f32 v33, v52;
	v33 =	vmovc v50;
	v41 =	vadd.f32 v48, v4;
	v48 =	vmul.f32 v39, v28;
	(pc) =	sbr.rel @p1 .LBB2_12-.Ltmp6, $4  }
0x185: {  	v55 =	vmul.f32 v38, v9;
	v54 =	vmul.f32 v39, v29;
	v49 =	vadd.f32 v51, v49  }
0x186: {  	v51 =	vadd.f32 v53, v41;
	v53 =	vmul.f32 v38, v15;
	[tilespmem:v32+s10+$0x8860 ss:$0x1] =	vst.idx.msk $0xffff, v52  }
0x187: {  	s11 =	sadd.s32 $0x1, s11;
	v50 =	vmul.f32 v39, v27;
	v41 =	vadd.f32 v54, v49;
	v52 =	vmul.f32 v42, v23  }
0x188: {  	v54 =	vmov s11;
	v49 =	vadd.f32 v55, v1;
	v53 =	vadd.f32 v53, v7;
	[tilespmem:v32+s10+$0x8870 ss:$0x1] =	vst.idx.msk $0xffff, v56;
	s10 =	smov.u32 s9;
	s9 =	smov.u32 s7  }
0x189: {  	_ =	sdelay $0x2  }
0x18a: {  	v54 =	vand.u32 $0xF, v54;
	v42 =	vmul.f32 v42, v18  }
0x18b: {  	v48 =	vadd.f32 v48, v51;
	[tilespmem:v32+s10+$0x8800 ss:$0x1] =	vst.idx.msk $0xffff, v46;
	v58 =	vadd.f32 v50, v47;
	v57 =	vbroadcast v54, $0x0  }
0x18c: {  	v38 =	vmul.f32 v38, v10;
	v39 =	vmul.f32 v39, v31;
	v45 =	vadd.f32 v45, v6  }
0x18d: {  	v59 =	vadd.f32 v52, v53;
	v35 =	vperm.xlane v35, v57;
	v36 =	vperm.xlane v36, v57  }
0x18e: {  	v40 =	vadd.f32 v40, v49;
	v38 =	vadd.f32 v38, v2;
	v37 =	vperm.xlane v37, v57  }
0x18f: {  	v34 =	vadd.f32 v34, v45;
	v60 =	vmul.f32 v35, v8;
	v49 =	vmul.f32 v36, v22  }
0x190: {  	v40 =	vadd.f32 v43, v40;
	v43 =	vmul.f32 v36, v17;
	v50 =	vmul.f32 v37, v30  }
0x191: {  	v39 =	vadd.f32 v39, v59;
	v62 =	vmul.f32 v36, v16;
	v63 =	vmul.f32 v35, v11  }
0x192: {  	v38 =	vadd.f32 v42, v38;
	v51 =	vmul.f32 v35, v14;
	v53 =	vmul.f32 v37, v24  }
0x193: {  	v33 =	vadd.f32 v33, v34;
	v45 =	vmul.f32 v37, v25;
	v54 =	vmul.f32 v36, v19  }
0x194: {  	[tilespmem:v32+s10+$0x8810 ss:$0x1] =	vst.idx.msk $0xffff, v40;
	v55 =	vmul.f32 v35, v13;
	v56 =	vmul.f32 v36, v21  }
0x195: {  	v57 =	vmul.f32 v35, v12;
	v38 =	vadd.f32 v44, v38;
	v61 =	vadd.f32 v60, v0  }
0x196: {  	v59 =	vmul.f32 v37, v26;
	v40 =	vadd.f32 v63, v3;
	v44 =	vadd.f32 v55, v5  }
0x197: {  	v60 =	vadd.f32 v57, v4;
	v63 =	vmul.f32 v35, v10;
	[tilespmem:v32+s10+$0x8820 ss:$0x1] =	vst.idx.msk $0xffff, v38  }
0x198: {  	v42 =	vadd.f32 v62, v61;
	[tilespmem:v32+s10+$0x8830 ss:$0x1] =	vst.idx.msk $0xffff, v58;
	v58 =	vmul.f32 v36, v20  }
0x199: {  	v40 =	vadd.f32 v54, v40;
	v61 =	vmul.f32 v35, v9;
	v62 =	vmul.f32 v37, v28  }
0x19a: {  	v44 =	vadd.f32 v56, v44;
	v54 =	vmul.f32 v36, v18;
	v34 =	vadd.f32 v63, v2  }
0x19b: {  	v35 =	vmul.f32 v35, v15;
	v38 =	vadd.f32 v53, v42;
	v42 =	vadd.f32 v61, v1  }
0x19c: {  	v56 =	vmul.f32 v37, v27;
	v36 =	vmul.f32 v36, v23;
	[tilespmem:v32+s10+$0x8840 ss:$0x1] =	vst.idx.msk $0xffff, v48  }
0x19d: {  	[tilespmem:v32+s10+$0x8850 ss:$0x1] =	vst.idx.msk $0xffff, v41;
	v53 =	vmul.f32 v37, v29;
	v55 =	vadd.f32 v43, v42  }
0x19e: {  	v41 =	vadd.f32 v58, v60;
	v34 =	vadd.f32 v54, v34;
	[tilespmem:v32+s10+$0x8860 ss:$0x1] =	vst.idx.msk $0xffff, v33  }
0x19f: {  	v58 =	vadd.f32 v51, v6;
	[tilespmem:v32+s10+$0x8870 ss:$0x1] =	vst.idx.msk $0xffff, v39;
	v33 =	vadd.f32 v45, v55  }
0x1a0: {  	v35 =	vadd.f32 v35, v7;
	v34 =	vadd.f32 v59, v34;
	[tilespmem:v32+s9+$0x8800 ss:$0x1] =	vst.idx.msk $0xffff, v38  }
0x1a1: {  	v57 =	vadd.f32 v53, v44;
	v59 =	vadd.f32 v56, v40;
	[tilespmem:v32+s9+$0x8810 ss:$0x1] =	vst.idx.msk $0xffff, v33  }
0x1a2: {  	p1 =	slt.u32 s26, $0xE;
	v60 =	vadd.f32 v62, v41;
	v38 =	vadd.f32 v49, v58;
	[tilespmem:v32+s9+$0x8820 ss:$0x1] =	vst.idx.msk $0xffff, v34  }
.Ltmp7:
0x1a3: {  	v61 =	vadd.f32 v36, v35;
	v62 =	vmul.f32 v37, v31;
	[tilespmem:v32+s9+$0x8830 ss:$0x1] =	vst.idx.msk $0xffff, v59;
	(pc) =	sbr.rel @p1 .LBB2_9-.Ltmp7, $4  }
0x1a4: {  	v63 =	vadd.f32 v50, v38;
	[tilespmem:v32+s9+$0x8840 ss:$0x1] =	vst.idx.msk $0xffff, v60  }
0x1a5: {  	v34 =	vadd.f32 v62, v61;
	[tilespmem:v32+s9+$0x8850 ss:$0x1] =	vst.idx.msk $0xffff, v57  }
0x1a6: {  	s7 =	sadd.s32 $0x2, s26;
	[tilespmem:v32+s9+$0x8860 ss:$0x1] =	vst.idx.msk $0xffff, v63  }
0x1a7: {  	s25 =	sadd.s32 $0x1000, s25;
	s26 =	smov.u32 s7;
	[tilespmem:v32+s9+$0x8870 ss:$0x1] =	vst.idx.msk $0xffff, v34  }
.Ltmp8:
0x1a8: {  	(pc) =	sbr.rel @p0 .LBB2_16-.Ltmp8, $4  }
0x1a9: {  	_ = 	snop  }
0x1aa: {  	s7 =	sshll.u32 s8, $0x4  }
0x1ab: {  	s7 =	sadd.s32 s2, s7  }
0x1ac: {  	[hbm4b:s7+s3] =	stream.linear.scatter [tilespmem:s24], [sflag:$0x4], $0x8000, $0x38;
	[tilespmem:$0x10800] =	vst v63  }
0x1ad: {  	s7 =	sadd.s32 s21, s17  }
0x1ae: {  	s7 =	sshrl.u32 s7, $0x3  }
0x1af: {  	s8 =	sadd.s32 s4, s7  }
0x1b0: {  	[tilespmem:s28], [sflag:$0x2] =	stream.linear.gather [hbm4b:s8+s3], $0x80, $0x38;
	[tilespmem:$0x10800] =	vst v63  }
0x1b1: {  	s8 =	sadd.s32 $0x10, s8  }
0x1b2: {  	[tilespmem:s29], [sflag:$0x2] =	stream.linear.gather [hbm4b:s8+s3], $0x80, $0x38;
	[tilespmem:$0x10800] =	vst v63  }
0x1b3: {  	s26 =	sadd.s32 s5, s7  }
0x1b4: {  	[tilespmem:s30], [sflag:$0x2] =	stream.linear.gather [hbm4b:s26+s3], $0x80, $0x38;
	[tilespmem:$0x10800] =	vst v63  }
0x1b5: {  	s8 =	sadd.s32 $0x10, s26  }
0x1b6: {  	[tilespmem:s31], [sflag:$0x2] =	stream.linear.gather [hbm4b:s8+s3], $0x80, $0x38;
	[tilespmem:$0x10800] =	vst v63  }
.Ltmp9:
0x1b7: {  	_ = 	snop;
	(pc) =	sbr.rel .LBB2_2-.Ltmp9, $4  }
0x1b8: {  	s7 =	sadd.s32 s6, s7  }
0x1b9: {  	[tilespmem:s0], [sflag:$0x2] =	stream.linear.gather [hbm4b:s7+s3], $0x80, $0x38;
	[tilespmem:$0x10800] =	vst v63  }
0x1ba: {  	s18 =	sadd.s32 $0x1, s18;
	s7 =	sadd.s32 $0x10, s7  }
0x1bb: {  	[tilespmem:s1], [sflag:$0x2] =	stream.linear.gather [hbm4b:s7+s3], $0x80, $0x38;
	[tilespmem:$0x10800] =	vst v63  }
.LBB2_17:
0x1bc: {  	_ =	sfence.sel $0x180000  }
0x1bd: {  	[bflag:$0x0] =	sbarrier.arrive $0xFFFF  }
0x1be: {  	_ =	strace $0x90000047  }
0x1bf: {  	s0 =	stileid.u32;
	[bflag:$0x2] =	sbarrier.arrive $0xFFFF  }
0x1c0: {  	p0 =	sne.s32 s0, $0x0;
	s0 =	rddreg [dreg:$0x2]  }
0x1c1: {  	s0 =	sadd.s32 @!p0 $0x100000, s0  }
0x1c2: {  	[sflag:s0] =	ssyncadd.tile.s32 @!p0 $0x1;
	_ =	shalt  }
.Lfunc_end2:
_tile_overlayer_lowered:
.L_overlay_start_2:
0x1c3: {  	(tag) =	ssettag $0x2  }
0x1c4: {  	s0 =	rddreg [dreg:$0x0];
	s2 =	stileid.u32  }
0x1c5: {  	s1 =	rddreg [dreg:$0x1];
	p0 =	sne.s32 s2, $0x0  }
0x1c6: {  	s3 =	rddreg [dreg:$0x2];
	[bflag:$0x3] =	sbarrier.arrive $0xFFFF;
	s2 =	simm.s32 @!p0 $0x1C05  }
0x1c7: {  	[timem:s3], [sflag:s2] =	dma.local @!p0 [hbm:s0], s1  }
0x1c8: {  	s0 =	simm.s32 @!p0 $0x5  }
0x1c9: {  	_ =	swait.ge @!p0 [sflag:s0], s1  }
0x1ca: {  	s1 =	ssub.s32 @!p0 $0x0, s1;
	[sflag:s0] =	ssyncset.done @!p0 $0x0  }
0x1cb: {  	[sflag:s0] =	ssyncadd.s32 @!p0 s1  }
0x1cc: {  	[bflag:$0x3] =	sbarrier.arrive $0xFFFF  }
0x1cd: {  	_ =	shalt  }

</sc_bundles>
